<compile_context>
chip_gen: v7x
topology: tpu7x:2x2x1
jax: 0.10.2.dev20260603
libtpu: 0.0.44.dev20260713+nightly
codegen_flags: <defaults>
</compile_context>

<pallas_src>
import functools

import jax
import jax.numpy as jnp
from jax import lax
from jax.experimental import pallas as pl
from jax.experimental.pallas import tpu as pltpu
from jax.experimental.pallas import tpu_sc as plsc

N_EMBD_K = 4096
N_EXP_K = 8
TOP_K_K = 2
CAP_K = 640
NT_K = 2048
ROW_K = N_EXP_K * CAP_K
TB_K = 256
TM_K = 256
NSTEP_K = NT_K // TM_K
NW_K = 32
TPW_K = NT_K // NW_K
GRP_K = 16
NGRP_K = TPW_K // GRP_K


RPT_K = ROW_K // 128


def _sc_cb_body(pos1_hbm, pos2_hbm, pw1_hbm, pw2_hbm, cb_hbm,
                idx1_v, idx2_v, w1_v, w2_v, buf_v):
    wid = lax.axis_index("s") * 2 + lax.axis_index("c")
    base = wid * TPW_K
    pltpu.sync_copy(pos1_hbm.at[pl.ds(base, TPW_K)], idx1_v)
    pltpu.sync_copy(pos2_hbm.at[pl.ds(base, TPW_K)], idx2_v)
    pltpu.sync_copy(pw1_hbm.at[pl.ds(base, TPW_K)], w1_v)
    pltpu.sync_copy(pw2_hbm.at[pl.ds(base, TPW_K)], w2_v)

    zeros16 = jnp.zeros((16,), jnp.float32)

    def _zrow(r, _):
        for j in range(8):
            buf_v[r, pl.ds(j * 16, 16)] = zeros16
        return 0

    lax.fori_loop(0, GRP_K * RPT_K, _zrow, 0)

    lidx = lax.broadcasted_iota(jnp.int32, (16,), 0)
    for g in range(NGRP_K):
        sl = pl.ds(g * GRP_K, GRP_K)
        for posv, pv in ((idx1_v[sl], w1_v[sl]), (idx2_v[sl], w2_v[sl])):
            rowv = lidx * RPT_K + (posv >> 7)
            colv = posv & 127
            plsc.store_scatter(buf_v, [rowv, colv], pv, mask=posv >= 0)
        pltpu.sync_copy(
            buf_v, cb_hbm.at[pl.ds((base + g * GRP_K) * RPT_K, GRP_K * RPT_K)]
        )
        if g != NGRP_K - 1:
            for posv in (idx1_v[sl], idx2_v[sl]):
                rowv = lidx * RPT_K + (posv >> 7)
                colv = posv & 127
                plsc.store_scatter(buf_v, [rowv, colv], zeros16, mask=posv >= 0)


@functools.cache
def _sc_cb_dispatch():
    mesh = plsc.VectorSubcoreMesh(core_axis_name="c", subcore_axis_name="s")
    return pl.kernel(
        _sc_cb_body,
        mesh=mesh,
        compiler_params=pltpu.CompilerParams(needs_layout_passes=False),
        out_type=jax.ShapeDtypeStruct((NT_K * RPT_K, 128), jnp.float32),
        scratch_types=[
            pltpu.VMEM((TPW_K,), jnp.int32),
            pltpu.VMEM((TPW_K,), jnp.int32),
            pltpu.VMEM((TPW_K,), jnp.float32),
            pltpu.VMEM((TPW_K,), jnp.float32),
            pltpu.VMEM((GRP_K * RPT_K, 128), jnp.float32),
        ],
    )


def _route_meta_body(
    x_ref, w_ref, mi_ref, mf_ref, cap_ref, c1_ref, c2_ref, sf_ref, s2_ref, si_ref
):
    i = pl.program_id(0)

    @pl.when(i == 0)
    def _init():
        c1_ref[...] = jnp.zeros((1, N_EXP_K), jnp.float32)
        c2_ref[...] = jnp.zeros((1, N_EXP_K), jnp.float32)

    x = x_ref[...]
    w = w_ref[...]
    logits = jax.lax.dot_general(
        x, w, (((1,), (1,)), ((), ())), preferred_element_type=jnp.float32
    )
    tm = TM_K
    e = N_EXP_K
    lane = jax.lax.broadcasted_iota(jnp.int32, (tm, e), 1)

    m1 = jnp.max(logits, axis=1, keepdims=True)
    e1 = jnp.min(jnp.where(logits == m1, lane, e), axis=1, keepdims=True)
    sel1 = lane == e1
    masked = jnp.where(sel1, -jnp.inf, logits)
    m2 = jnp.max(masked, axis=1, keepdims=True)
    e2 = jnp.min(jnp.where(masked == m2, lane, e), axis=1, keepdims=True)
    sel2 = lane == e2

    q = jnp.exp(m2 - m1)
    p1 = 1.0 / (1.0 + q)
    p2 = q * p1

    oh1 = sel1.astype(jnp.float32)
    oh2 = sel2.astype(jnp.float32)

    r = jax.lax.broadcasted_iota(jnp.int32, (tm, tm), 0)
    c = jax.lax.broadcasted_iota(jnp.int32, (tm, tm), 1)
    tril = (r > c).astype(jnp.float32)
    r1x = jax.lax.dot_general(
        tril, oh1, (((1,), (0,)), ((), ())), preferred_element_type=jnp.float32
    )
    r2x = jax.lax.dot_general(
        tril, oh2, (((1,), (0,)), ((), ())), preferred_element_type=jnp.float32
    )
    tot1 = jnp.sum(oh1, axis=0, keepdims=True)
    tot2 = jnp.sum(oh2, axis=0, keepdims=True)

    carry1 = c1_ref[...]
    carry2 = c2_ref[...]
    rank1 = jnp.sum(jnp.where(sel1, r1x + carry1, 0.0), axis=1, keepdims=True)
    rank1 = rank1.astype(jnp.int32)
    pos1 = jnp.where(rank1 < CAP_K, e1 * CAP_K + rank1, -1)
    posp1 = jnp.where(
        rank1 < CAP_K,
        (rank1 >> 7) * (N_EXP_K * 128) + e1 * 128 + (rank1 & 127),
        -1,
    )
    pref2 = jnp.sum(jnp.where(sel2, r2x + carry2, 0.0), axis=1, keepdims=True)

    sl = pl.ds(i * tm, tm)
    si_ref[sl, :] = jnp.where(lane == 0, pos1, jnp.where(lane == 2, posp1, -1))
    sf_ref[sl, :] = jnp.where(
        lane == 0, p1, jnp.where(lane == 1, p2, jnp.where(lane == 2, pref2, 0.0))
    )
    s2_ref[sl, :] = oh2

    c1_ref[...] = carry1 + tot1
    c2_ref[...] = carry2 + tot2

    @pl.when(i == NSTEP_K - 1)
    def _finalize():
        tot1_all = c1_ref[...]
        tot_all = tot1_all + c2_ref[...]
        lane_a = jax.lax.broadcasted_iota(jnp.int32, (NT_K, N_EXP_K), 1)
        sel2_a = s2_ref[...]
        sf_a = sf_ref[...]
        pref2_a = jnp.sum(jnp.where(lane_a == 2, sf_a, 0.0), axis=1, keepdims=True)
        off2 = jnp.sum(sel2_a * tot1_all, axis=1, keepdims=True)
        rank2 = (pref2_a + off2).astype(jnp.int32)
        e2_a = jnp.sum(sel2_a * lane_a.astype(jnp.float32), axis=1, keepdims=True)
        e2_a = e2_a.astype(jnp.int32)
        pos2 = jnp.where(rank2 < CAP_K, e2_a * CAP_K + rank2, -1)
        posp2 = jnp.where(
            rank2 < CAP_K,
            (rank2 >> 7) * (N_EXP_K * 128) + e2_a * 128 + (rank2 & 127),
            -1,
        )
        mi_ref[...] = jnp.where(
            lane_a == 1, pos2, jnp.where(lane_a == 3, posp2, si_ref[...])
        )
        mf_ref[...] = jnp.where(lane_a == 2, 0.0, sf_a)
        cap_ref[...] = jnp.minimum(tot_all, float(CAP_K)).astype(jnp.int32)


def _mask_body(mi_ref, mf_ref, mk_ref):
    mi = mi_ref[...]
    mf = mf_ref[...]
    pos1 = mi[:, 0:1, None]
    pos2 = mi[:, 1:2, None]
    p1 = mf[:, 0:1, None]
    p2 = mf[:, 1:2, None]
    shp = (TB_K, N_EXP_K, CAP_K)
    e = jax.lax.broadcasted_iota(jnp.int32, shp, 1)
    c = jax.lax.broadcasted_iota(jnp.int32, shp, 2)
    j = e * CAP_K + c
    hit1 = jnp.logical_and(j == pos1, p1 != 0.0)
    hit2 = jnp.logical_and(j == pos2, p2 != 0.0)
    mk_ref[...] = jnp.logical_or(hit1, hit2).astype(jnp.int8)


def kernel(x, W_router):
    nt = x.shape[0] * x.shape[1]
    x2 = x.reshape(nt, x.shape[2]).astype(jnp.float32)

    mi, mf, used = pl.pallas_call(
        _route_meta_body,
        grid=(NSTEP_K,),
        in_specs=[
            pl.BlockSpec((TM_K, N_EMBD_K), lambda i: (i, 0)),
            pl.BlockSpec((N_EXP_K, N_EMBD_K), lambda i: (0, 0)),
        ],
        out_specs=(
            pl.BlockSpec((NT_K, N_EXP_K), lambda i: (0, 0)),
            pl.BlockSpec((NT_K, N_EXP_K), lambda i: (0, 0)),
            pl.BlockSpec((1, N_EXP_K), lambda i: (0, 0)),
        ),
        out_shape=(
            jax.ShapeDtypeStruct((NT_K, N_EXP_K), jnp.int32),
            jax.ShapeDtypeStruct((NT_K, N_EXP_K), jnp.float32),
            jax.ShapeDtypeStruct((1, N_EXP_K), jnp.int32),
        ),
        scratch_shapes=[
            pltpu.VMEM((1, N_EXP_K), jnp.float32),
            pltpu.VMEM((1, N_EXP_K), jnp.float32),
            pltpu.VMEM((NT_K, N_EXP_K), jnp.float32),
            pltpu.VMEM((NT_K, N_EXP_K), jnp.float32),
            pltpu.VMEM((NT_K, N_EXP_K), jnp.int32),
        ],
    )(x2, W_router)

    grid = NT_K // TB_K
    cb4 = _sc_cb_dispatch()(mi[:, 2], mi[:, 3], mf[:, 0], mf[:, 1])

    sec_mask = pl.pallas_call(
        _mask_body,
        grid=(grid,),
        in_specs=[
            pl.BlockSpec((TB_K, N_EXP_K), lambda i: (i, 0)),
            pl.BlockSpec((TB_K, N_EXP_K), lambda i: (i, 0)),
        ],
        out_specs=pl.BlockSpec((TB_K, N_EXP_K, CAP_K), lambda i: (i, 0, 0)),
        out_shape=jax.ShapeDtypeStruct((NT_K, N_EXP_K, CAP_K), jnp.int8),
    )(mi, mf)
    cb_weight = (
        cb4.reshape(NT_K, CAP_K // 128, N_EXP_K, 128)
        .transpose(0, 2, 1, 3)
        .reshape(NT_K, N_EXP_K, CAP_K)
    )

    used_cap = used.reshape(N_EXP_K)
    sec_mask = sec_mask.view(jnp.bool_)
    return used_cap, cb_weight, sec_mask

# --- scband reference (transcript-rebuilt; emitter-appended) ---
"""Pipeline reference for scband-router-40389872451653 (READ-ONLY COPY).

The authoritative reference and input builder live on the scoring server;
editing this copy changes nothing except your own understanding.
"""

import jax, jax.numpy as jnp
import numpy as np

N_EMBD = 4096
N_EXP = 8
TOP_K = 2
CAP_FACTOR = 1.25


def setup_inputs(seed: int = 0) -> dict:
    key = jax.random.key(seed)
    k1, k2 = jax.random.split(key)
    x = jax.random.normal(k1, (1, 2048, N_EMBD), dtype=jnp.float32)
    W_router = jax.random.normal(k2, (N_EXP, N_EMBD), dtype=jnp.float32) * 0.02
    return {"x": x, "W_router": W_router}


def reference(x, W_router):
    B, T, D = x.shape
    num_tokens = B * T
    # router linear (no bias)
    router_logits = jnp.einsum('btd,ed->bte', x, W_router)  # [B, T, E]
    # top-k selection
    topk_logits, topk_idx = jax.lax.top_k(router_logits, TOP_K)  # [B, T, k]
    # scatter topk logits into -inf tensor, then softmax (equivalent to torch scatter_)
    oh_f = jax.nn.one_hot(topk_idx, N_EXP, dtype=router_logits.dtype)  # [B, T, k, E]
    scattered = jnp.sum(oh_f * topk_logits[..., None], axis=-2)  # [B, T, E]
    selmask = jnp.sum(oh_f, axis=-2) > 0
    router_probs = jnp.where(selmask, scattered, -jnp.inf)
    router_probs = jax.nn.softmax(router_probs, axis=-1)  # [B, T, E]
    # expert capacity
    exp_cap = TOP_K * B * T / N_EXP * CAP_FACTOR
    exp_cap += exp_cap % 2
    exp_cap = int(exp_cap)
    # capacity-aware dispatch mask
    exp_mask = jax.nn.one_hot(topk_idx, N_EXP, dtype=jnp.int32)  # [B, T, k, E]
    exp_mask = exp_mask.reshape(num_tokens, TOP_K, N_EXP).transpose(1, 0, 2)  # [k, nt, E]
    exp_rank = exp_mask.reshape(TOP_K * num_tokens, N_EXP)
    exp_rank = jnp.cumsum(exp_rank, axis=0) - 1
    exp_rank = exp_rank.reshape(TOP_K, num_tokens, N_EXP)
    exp_mask = exp_mask * (exp_rank < exp_cap).astype(jnp.int32)
    used_cap = jnp.sum(exp_mask, axis=(0, 1))  # [E]
    exp_rank = jnp.sum(exp_mask * exp_rank, axis=-1)  # [k, nt]
    rp = router_probs.reshape(num_tokens, N_EXP)[None, :, :]  # [1, nt, E]
    exp_weights = exp_mask.astype(rp.dtype) * rp  # [k, nt, E]
    exp_rank_sc = jax.nn.one_hot(exp_rank, exp_cap, dtype=rp.dtype)  # [k, nt, cap]
    cb_weight = jnp.sum(exp_weights[:, :, :, None] * exp_rank_sc[:, :, None, :], axis=0)  # [nt, E, cap]
    sec_mask = cb_weight.astype(bool)
    return used_cap, cb_weight, sec_mask

if __name__ == "__main__":
    import jax
    _d = setup_inputs()
    print(jax.jit(kernel)(*tuple(_d.values())))

</pallas_src>

<mosaic_0001>
#map = affine_map<(d0, d1) -> (0)>
#map1 = affine_map<(d0, d1) -> (0, 0)>
module attributes {stable_mosaic.version = 14 : i64} {
  func.func @_sc_cb_body(%arg0: i32, %arg1: i32, %arg2: memref<2048xi32, #tpu.memory_space<hbm>>, %arg3: memref<2048xi32, #tpu.memory_space<hbm>>, %arg4: memref<2048xf32, #tpu.memory_space<hbm>>, %arg5: memref<2048xf32, #tpu.memory_space<hbm>>, %arg6: memref<81920x128xf32, #tpu.memory_space<hbm>>, %arg7: memref<64xi32, #tpu.memory_space<vmem>>, %arg8: memref<64xi32, #tpu.memory_space<vmem>>, %arg9: memref<64xf32, #tpu.memory_space<vmem>>, %arg10: memref<64xf32, #tpu.memory_space<vmem>>, %arg11: memref<640x128xf32, #tpu.memory_space<vmem>>) attributes {dimension_semantics = [#tpu.dimension_semantics<core_parallel>, #tpu.dimension_semantics<subcore_parallel>], iteration_bounds = array<i64: 2, 16>, scalar_prefetch = 0 : i64, scratch_operands = 5 : i64, tpu.core_type = #tpu.core_type<sc_vector_subcore>, window_params = [{transform_indices = #map}, {transform_indices = #map}, {transform_indices = #map}, {transform_indices = #map}, {transform_indices = #map1}]} {
    %mul3A = arith.constant 2 : i32
    %mul3A_0 = arith.muli %arg1, %mul3A : i32
    %add3A = arith.addi %mul3A_0, %arg0 : i32
    %mul3A_1 = arith.constant 64 : i32
    %mul3A_2 = arith.muli %add3A, %mul3A_1 : i32
    "tpu.region"() ({
      %run_scoped3A = tpu.sem_alloc : memref<!tpu.dma_semaphore, #tpu.memory_space<semaphore_mem>>
      %dma_start3A = tpu.memref_slice %arg2[%mul3A_2] : memref<2048xi32, #tpu.memory_space<hbm>> -> memref<64xi32, #tpu.memory_space<hbm>>
      %dma_start3A_248 = tpu.memref_slice %arg2[%mul3A_2] : memref<2048xi32, #tpu.memory_space<hbm>> -> memref<64xi32, #tpu.memory_space<hbm>>
      tpu.enqueue_dma source(%dma_start3A_248 : memref<64xi32, #tpu.memory_space<hbm>>) target(%arg7 : memref<64xi32, #tpu.memory_space<vmem>>) target_semaphore(%run_scoped3A : memref<!tpu.dma_semaphore, #tpu.memory_space<semaphore_mem>>)
      %dma_wait3A = tpu.memref_slice %arg2[%mul3A_2] : memref<2048xi32, #tpu.memory_space<hbm>> -> memref<64xi32, #tpu.memory_space<hbm>>
      %dma_wait3A_249 = tpu.memref_slice %arg2[%mul3A_2] : memref<2048xi32, #tpu.memory_space<hbm>> -> memref<64xi32, #tpu.memory_space<hbm>>
      tpu.wait_dma2 semaphore(%run_scoped3A : memref<!tpu.dma_semaphore, #tpu.memory_space<semaphore_mem>>) src(%dma_wait3A_249 : memref<64xi32, #tpu.memory_space<hbm>>) dst(%arg7 : memref<64xi32, #tpu.memory_space<vmem>>)
      tpu.yield
    }) : () -> ()
    "tpu.region"() ({
      %run_scoped3A = tpu.sem_alloc : memref<!tpu.dma_semaphore, #tpu.memory_space<semaphore_mem>>
      %dma_start3A = tpu.memref_slice %arg3[%mul3A_2] : memref<2048xi32, #tpu.memory_space<hbm>> -> memref<64xi32, #tpu.memory_space<hbm>>
      %dma_start3A_248 = tpu.memref_slice %arg3[%mul3A_2] : memref<2048xi32, #tpu.memory_space<hbm>> -> memref<64xi32, #tpu.memory_space<hbm>>
      tpu.enqueue_dma source(%dma_start3A_248 : memref<64xi32, #tpu.memory_space<hbm>>) target(%arg8 : memref<64xi32, #tpu.memory_space<vmem>>) target_semaphore(%run_scoped3A : memref<!tpu.dma_semaphore, #tpu.memory_space<semaphore_mem>>)
      %dma_wait3A = tpu.memref_slice %arg3[%mul3A_2] : memref<2048xi32, #tpu.memory_space<hbm>> -> memref<64xi32, #tpu.memory_space<hbm>>
      %dma_wait3A_249 = tpu.memref_slice %arg3[%mul3A_2] : memref<2048xi32, #tpu.memory_space<hbm>> -> memref<64xi32, #tpu.memory_space<hbm>>
      tpu.wait_dma2 semaphore(%run_scoped3A : memref<!tpu.dma_semaphore, #tpu.memory_space<semaphore_mem>>) src(%dma_wait3A_249 : memref<64xi32, #tpu.memory_space<hbm>>) dst(%arg8 : memref<64xi32, #tpu.memory_space<vmem>>)
      tpu.yield
    }) : () -> ()
    "tpu.region"() ({
      %run_scoped3A = tpu.sem_alloc : memref<!tpu.dma_semaphore, #tpu.memory_space<semaphore_mem>>
      %dma_start3A = tpu.memref_slice %arg4[%mul3A_2] : memref<2048xf32, #tpu.memory_space<hbm>> -> memref<64xf32, #tpu.memory_space<hbm>>
      %dma_start3A_248 = tpu.memref_slice %arg4[%mul3A_2] : memref<2048xf32, #tpu.memory_space<hbm>> -> memref<64xf32, #tpu.memory_space<hbm>>
      tpu.enqueue_dma source(%dma_start3A_248 : memref<64xf32, #tpu.memory_space<hbm>>) target(%arg9 : memref<64xf32, #tpu.memory_space<vmem>>) target_semaphore(%run_scoped3A : memref<!tpu.dma_semaphore, #tpu.memory_space<semaphore_mem>>)
      %dma_wait3A = tpu.memref_slice %arg4[%mul3A_2] : memref<2048xf32, #tpu.memory_space<hbm>> -> memref<64xf32, #tpu.memory_space<hbm>>
      %dma_wait3A_249 = tpu.memref_slice %arg4[%mul3A_2] : memref<2048xf32, #tpu.memory_space<hbm>> -> memref<64xf32, #tpu.memory_space<hbm>>
      tpu.wait_dma2 semaphore(%run_scoped3A : memref<!tpu.dma_semaphore, #tpu.memory_space<semaphore_mem>>) src(%dma_wait3A_249 : memref<64xf32, #tpu.memory_space<hbm>>) dst(%arg9 : memref<64xf32, #tpu.memory_space<vmem>>)
      tpu.yield
    }) : () -> ()
    "tpu.region"() ({
      %run_scoped3A = tpu.sem_alloc : memref<!tpu.dma_semaphore, #tpu.memory_space<semaphore_mem>>
      %dma_start3A = tpu.memref_slice %arg5[%mul3A_2] : memref<2048xf32, #tpu.memory_space<hbm>> -> memref<64xf32, #tpu.memory_space<hbm>>
      %dma_start3A_248 = tpu.memref_slice %arg5[%mul3A_2] : memref<2048xf32, #tpu.memory_space<hbm>> -> memref<64xf32, #tpu.memory_space<hbm>>
      tpu.enqueue_dma source(%dma_start3A_248 : memref<64xf32, #tpu.memory_space<hbm>>) target(%arg10 : memref<64xf32, #tpu.memory_space<vmem>>) target_semaphore(%run_scoped3A : memref<!tpu.dma_semaphore, #tpu.memory_space<semaphore_mem>>)
      %dma_wait3A = tpu.memref_slice %arg5[%mul3A_2] : memref<2048xf32, #tpu.memory_space<hbm>> -> memref<64xf32, #tpu.memory_space<hbm>>
      %dma_wait3A_249 = tpu.memref_slice %arg5[%mul3A_2] : memref<2048xf32, #tpu.memory_space<hbm>> -> memref<64xf32, #tpu.memory_space<hbm>>
      tpu.wait_dma2 semaphore(%run_scoped3A : memref<!tpu.dma_semaphore, #tpu.memory_space<semaphore_mem>>) src(%dma_wait3A_249 : memref<64xf32, #tpu.memory_space<hbm>>) dst(%arg10 : memref<64xf32, #tpu.memory_space<vmem>>)
      tpu.yield
    }) : () -> ()
    %broadcast_in_dim3A = arith.constant 0.000000e+00 : f32
    %broadcast_in_dim3A_3 = vector.broadcast %broadcast_in_dim3A : f32 to vector<16xf32>
    %scan3A = arith.constant 0 : i32
    %scan3A_4 = arith.constant 0 : i32
    %scan3A_5 = arith.constant 640 : i32
    %scan3A_6 = arith.addi %scan3A_4, %scan3A_5 : i32
    %scan3A_7 = arith.constant 1 : i32
    %scan3A_8 = scf.for %scan3A_248 = %scan3A_4 to %scan3A_6 step %scan3A_7 iter_args(%scan3A_249 = %scan3A) -> (i32)  : i32 {
      %swap3A = arith.index_cast %scan3A_248 : i32 to index
      %swap3A_250 = arith.constant 0 : index
      %swap3A_251 = tpu.vector_load %arg11[%swap3A, %swap3A_250] {strides = array<i32>} : memref<640x128xf32, #tpu.memory_space<vmem>>, vector<16xf32>,
      tpu.vector_store %arg11[%swap3A, %swap3A_250], %broadcast_in_dim3A_3 {strides = array<i32>} : memref<640x128xf32, #tpu.memory_space<vmem>>, vector<16xf32>,
      %swap3A_252 = arith.index_cast %scan3A_248 : i32 to index
      %swap3A_253 = arith.constant 16 : index
      %swap3A_254 = tpu.vector_load %arg11[%swap3A_252, %swap3A_253] {strides = array<i32>} : memref<640x128xf32, #tpu.memory_space<vmem>>, vector<16xf32>,
      tpu.vector_store %arg11[%swap3A_252, %swap3A_253], %broadcast_in_dim3A_3 {strides = array<i32>} : memref<640x128xf32, #tpu.memory_space<vmem>>, vector<16xf32>,
      %swap3A_255 = arith.index_cast %scan3A_248 : i32 to index
      %swap3A_256 = arith.constant 32 : index
      %swap3A_257 = tpu.vector_load %arg11[%swap3A_255, %swap3A_256] {strides = array<i32>} : memref<640x128xf32, #tpu.memory_space<vmem>>, vector<16xf32>,
      tpu.vector_store %arg11[%swap3A_255, %swap3A_256], %broadcast_in_dim3A_3 {strides = array<i32>} : memref<640x128xf32, #tpu.memory_space<vmem>>, vector<16xf32>,
      %swap3A_258 = arith.index_cast %scan3A_248 : i32 to index
      %swap3A_259 = arith.constant 48 : index
      %swap3A_260 = tpu.vector_load %arg11[%swap3A_258, %swap3A_259] {strides = array<i32>} : memref<640x128xf32, #tpu.memory_space<vmem>>, vector<16xf32>,
      tpu.vector_store %arg11[%swap3A_258, %swap3A_259], %broadcast_in_dim3A_3 {strides = array<i32>} : memref<640x128xf32, #tpu.memory_space<vmem>>, vector<16xf32>,
      %swap3A_261 = arith.index_cast %scan3A_248 : i32 to index
      %swap3A_262 = arith.constant 64 : index
      %swap3A_263 = tpu.vector_load %arg11[%swap3A_261, %swap3A_262] {strides = array<i32>} : memref<640x128xf32, #tpu.memory_space<vmem>>, vector<16xf32>,
      tpu.vector_store %arg11[%swap3A_261, %swap3A_262], %broadcast_in_dim3A_3 {strides = array<i32>} : memref<640x128xf32, #tpu.memory_space<vmem>>, vector<16xf32>,
      %swap3A_264 = arith.index_cast %scan3A_248 : i32 to index
      %swap3A_265 = arith.constant 80 : index
      %swap3A_266 = tpu.vector_load %arg11[%swap3A_264, %swap3A_265] {strides = array<i32>} : memref<640x128xf32, #tpu.memory_space<vmem>>, vector<16xf32>,
      tpu.vector_store %arg11[%swap3A_264, %swap3A_265], %broadcast_in_dim3A_3 {strides = array<i32>} : memref<640x128xf32, #tpu.memory_space<vmem>>, vector<16xf32>,
      %swap3A_267 = arith.index_cast %scan3A_248 : i32 to index
      %swap3A_268 = arith.constant 96 : index
      %swap3A_269 = tpu.vector_load %arg11[%swap3A_267, %swap3A_268] {strides = array<i32>} : memref<640x128xf32, #tpu.memory_space<vmem>>, vector<16xf32>,
      tpu.vector_store %arg11[%swap3A_267, %swap3A_268], %broadcast_in_dim3A_3 {strides = array<i32>} : memref<640x128xf32, #tpu.memory_space<vmem>>, vector<16xf32>,
      %swap3A_270 = arith.index_cast %scan3A_248 : i32 to index
      %swap3A_271 = arith.constant 112 : index
      %swap3A_272 = tpu.vector_load %arg11[%swap3A_270, %swap3A_271] {strides = array<i32>} : memref<640x128xf32, #tpu.memory_space<vmem>>, vector<16xf32>,
      tpu.vector_store %arg11[%swap3A_270, %swap3A_271], %broadcast_in_dim3A_3 {strides = array<i32>} : memref<640x128xf32, #tpu.memory_space<vmem>>, vector<16xf32>,
      %scan3A_273 = arith.constant 0 : i32
      scf.yield %scan3A_273 : i32
    }
    %scan3A_9 = arith.constant 640 : i32
    %iota3A = tpu.iota {dimensions = array<i32: 0>} : vector<16xi32>
    %get3A = arith.constant 0 : index
    %get3A_10 = tpu.vector_load %arg7[%get3A] {strides = array<i32>} : memref<64xi32, #tpu.memory_space<vmem>>, vector<16xi32>,
    %get3A_11 = arith.constant 0 : index
    %get3A_12 = tpu.vector_load %arg9[%get3A_11] {strides = array<i32>} : memref<64xf32, #tpu.memory_space<vmem>>, vector<16xf32>,
    %get3A_13 = arith.constant 0 : index
    %get3A_14 = tpu.vector_load %arg8[%get3A_13] {strides = array<i32>} : memref<64xi32, #tpu.memory_space<vmem>>, vector<16xi32>,
    %get3A_15 = arith.constant 0 : index
    %get3A_16 = tpu.vector_load %arg10[%get3A_15] {strides = array<i32>} : memref<64xf32, #tpu.memory_space<vmem>>, vector<16xf32>,
    %mul3A_17 = arith.constant 40 : i32
    %mul3A_18 = vector.broadcast %mul3A_17 : i32 to vector<16xi32>
    %mul3A_19 = arith.muli %iota3A, %mul3A_18 : vector<16xi32>
    %shift_right_arithmetic3A = arith.constant 7 : i32
    %shift_right_arithmetic3A_20 = vector.broadcast %shift_right_arithmetic3A : i32 to vector<16xi32>
    %shift_right_arithmetic3A_21 = arith.shrsi %get3A_10, %shift_right_arithmetic3A_20 : vector<16xi32>
    %add3A_22 = arith.addi %mul3A_19, %shift_right_arithmetic3A_21 : vector<16xi32>
    %and3A = arith.constant 127 : i32
    %and3A_23 = vector.broadcast %and3A : i32 to vector<16xi32>
    %and3A_24 = arith.andi %get3A_10, %and3A_23 : vector<16xi32>
    %ge3A = arith.constant 0 : i32
    %ge3A_25 = vector.broadcast %ge3A : i32 to vector<16xi32>
    %ge3A_26 = arith.cmpi sge, %get3A_10, %ge3A_25 : vector<16xi32>
    tpu.vector_store_idx %arg11[%add3A_22, %and3A_24], %get3A_12 masked %ge3A_26 : memref<640x128xf32, #tpu.memory_space<vmem>>[vector<16xi32>, vector<16xi32>], vector<16xf32>, vector<16xi1>
    %mul3A_27 = arith.constant 40 : i32
    %mul3A_28 = vector.broadcast %mul3A_27 : i32 to vector<16xi32>
    %mul3A_29 = arith.muli %iota3A, %mul3A_28 : vector<16xi32>
    %shift_right_arithmetic3A_30 = arith.constant 7 : i32
    %shift_right_arithmetic3A_31 = vector.broadcast %shift_right_arithmetic3A_30 : i32 to vector<16xi32>
    %shift_right_arithmetic3A_32 = arith.shrsi %get3A_14, %shift_right_arithmetic3A_31 : vector<16xi32>
    %add3A_33 = arith.addi %mul3A_29, %shift_right_arithmetic3A_32 : vector<16xi32>
    %and3A_34 = arith.constant 127 : i32
    %and3A_35 = vector.broadcast %and3A_34 : i32 to vector<16xi32>
    %and3A_36 = arith.andi %get3A_14, %and3A_35 : vector<16xi32>
    %ge3A_37 = arith.constant 0 : i32
    %ge3A_38 = vector.broadcast %ge3A_37 : i32 to vector<16xi32>
    %ge3A_39 = arith.cmpi sge, %get3A_14, %ge3A_38 : vector<16xi32>
    tpu.vector_store_idx %arg11[%add3A_33, %and3A_36], %get3A_16 masked %ge3A_39 : memref<640x128xf32, #tpu.memory_space<vmem>>[vector<16xi32>, vector<16xi32>], vector<16xf32>, vector<16xi1>
    %add3A_40 = arith.constant 0 : i32
    %add3A_41 = arith.addi %mul3A_2, %add3A_40 : i32
    %mul3A_42 = arith.constant 40 : i32
    %mul3A_43 = arith.muli %add3A_41, %mul3A_42 : i32
    "tpu.region"() ({
      %run_scoped3A = tpu.sem_alloc : memref<!tpu.dma_semaphore, #tpu.memory_space<semaphore_mem>>
      %dma_start3A = arith.constant 0 : i32
      %dma_start3A_248 = tpu.memref_slice %arg6[%mul3A_43, %dma_start3A] : memref<81920x128xf32, #tpu.memory_space<hbm>> -> memref<640x128xf32, #tpu.memory_space<hbm>>
      %dma_start3A_249 = arith.constant 0 : i32
      %dma_start3A_250 = tpu.memref_slice %arg6[%mul3A_43, %dma_start3A_249] : memref<81920x128xf32, #tpu.memory_space<hbm>> -> memref<640x128xf32, #tpu.memory_space<hbm>>
      tpu.enqueue_dma source(%arg11 : memref<640x128xf32, #tpu.memory_space<vmem>>) target(%dma_start3A_250 : memref<640x128xf32, #tpu.memory_space<hbm>>) target_semaphore(%run_scoped3A : memref<!tpu.dma_semaphore, #tpu.memory_space<semaphore_mem>>)
      %dma_wait3A = arith.constant 0 : i32
      %dma_wait3A_251 = tpu.memref_slice %arg6[%mul3A_43, %dma_wait3A] : memref<81920x128xf32, #tpu.memory_space<hbm>> -> memref<640x128xf32, #tpu.memory_space<hbm>>
      %dma_wait3A_252 = arith.constant 0 : i32
      %dma_wait3A_253 = tpu.memref_slice %arg6[%mul3A_43, %dma_wait3A_252] : memref<81920x128xf32, #tpu.memory_space<hbm>> -> memref<640x128xf32, #tpu.memory_space<hbm>>
      tpu.wait_dma2 semaphore(%run_scoped3A : memref<!tpu.dma_semaphore, #tpu.memory_space<semaphore_mem>>) src(%arg11 : memref<640x128xf32, #tpu.memory_space<vmem>>) dst(%dma_wait3A_253 : memref<640x128xf32, #tpu.memory_space<hbm>>)
      tpu.yield
    }) : () -> ()
    %get3A_44 = arith.constant 0 : index
    %get3A_45 = tpu.vector_load %arg7[%get3A_44] {strides = array<i32>} : memref<64xi32, #tpu.memory_space<vmem>>, vector<16xi32>,
    %get3A_46 = arith.constant 0 : index
    %get3A_47 = tpu.vector_load %arg8[%get3A_46] {strides = array<i32>} : memref<64xi32, #tpu.memory_space<vmem>>, vector<16xi32>,
    %mul3A_48 = arith.constant 40 : i32
    %mul3A_49 = vector.broadcast %mul3A_48 : i32 to vector<16xi32>
    %mul3A_50 = arith.muli %iota3A, %mul3A_49 : vector<16xi32>
    %shift_right_arithmetic3A_51 = arith.constant 7 : i32
    %shift_right_arithmetic3A_52 = vector.broadcast %shift_right_arithmetic3A_51 : i32 to vector<16xi32>
    %shift_right_arithmetic3A_53 = arith.shrsi %get3A_45, %shift_right_arithmetic3A_52 : vector<16xi32>
    %add3A_54 = arith.addi %mul3A_50, %shift_right_arithmetic3A_53 : vector<16xi32>
    %and3A_55 = arith.constant 127 : i32
    %and3A_56 = vector.broadcast %and3A_55 : i32 to vector<16xi32>
    %and3A_57 = arith.andi %get3A_45, %and3A_56 : vector<16xi32>
    %ge3A_58 = arith.constant 0 : i32
    %ge3A_59 = vector.broadcast %ge3A_58 : i32 to vector<16xi32>
    %ge3A_60 = arith.cmpi sge, %get3A_45, %ge3A_59 : vector<16xi32>
    tpu.vector_store_idx %arg11[%add3A_54, %and3A_57], %broadcast_in_dim3A_3 masked %ge3A_60 : memref<640x128xf32, #tpu.memory_space<vmem>>[vector<16xi32>, vector<16xi32>], vector<16xf32>, vector<16xi1>
    %mul3A_61 = arith.constant 40 : i32
    %mul3A_62 = vector.broadcast %mul3A_61 : i32 to vector<16xi32>
    %mul3A_63 = arith.muli %iota3A, %mul3A_62 : vector<16xi32>
    %shift_right_arithmetic3A_64 = arith.constant 7 : i32
    %shift_right_arithmetic3A_65 = vector.broadcast %shift_right_arithmetic3A_64 : i32 to vector<16xi32>
    %shift_right_arithmetic3A_66 = arith.shrsi %get3A_47, %shift_right_arithmetic3A_65 : vector<16xi32>
    %add3A_67 = arith.addi %mul3A_63, %shift_right_arithmetic3A_66 : vector<16xi32>
    %and3A_68 = arith.constant 127 : i32
    %and3A_69 = vector.broadcast %and3A_68 : i32 to vector<16xi32>
    %and3A_70 = arith.andi %get3A_47, %and3A_69 : vector<16xi32>
    %ge3A_71 = arith.constant 0 : i32
    %ge3A_72 = vector.broadcast %ge3A_71 : i32 to vector<16xi32>
    %ge3A_73 = arith.cmpi sge, %get3A_47, %ge3A_72 : vector<16xi32>
    tpu.vector_store_idx %arg11[%add3A_67, %and3A_70], %broadcast_in_dim3A_3 masked %ge3A_73 : memref<640x128xf32, #tpu.memory_space<vmem>>[vector<16xi32>, vector<16xi32>], vector<16xf32>, vector<16xi1>
    %get3A_74 = arith.constant 16 : index
    %get3A_75 = tpu.vector_load %arg7[%get3A_74] {strides = array<i32>} : memref<64xi32, #tpu.memory_space<vmem>>, vector<16xi32>,
    %get3A_76 = arith.constant 16 : index
    %get3A_77 = tpu.vector_load %arg9[%get3A_76] {strides = array<i32>} : memref<64xf32, #tpu.memory_space<vmem>>, vector<16xf32>,
    %get3A_78 = arith.constant 16 : index
    %get3A_79 = tpu.vector_load %arg8[%get3A_78] {strides = array<i32>} : memref<64xi32, #tpu.memory_space<vmem>>, vector<16xi32>,
    %get3A_80 = arith.constant 16 : index
    %get3A_81 = tpu.vector_load %arg10[%get3A_80] {strides = array<i32>} : memref<64xf32, #tpu.memory_space<vmem>>, vector<16xf32>,
    %mul3A_82 = arith.constant 40 : i32
    %mul3A_83 = vector.broadcast %mul3A_82 : i32 to vector<16xi32>
    %mul3A_84 = arith.muli %iota3A, %mul3A_83 : vector<16xi32>
    %shift_right_arithmetic3A_85 = arith.constant 7 : i32
    %shift_right_arithmetic3A_86 = vector.broadcast %shift_right_arithmetic3A_85 : i32 to vector<16xi32>
    %shift_right_arithmetic3A_87 = arith.shrsi %get3A_75, %shift_right_arithmetic3A_86 : vector<16xi32>
    %add3A_88 = arith.addi %mul3A_84, %shift_right_arithmetic3A_87 : vector<16xi32>
    %and3A_89 = arith.constant 127 : i32
    %and3A_90 = vector.broadcast %and3A_89 : i32 to vector<16xi32>
    %and3A_91 = arith.andi %get3A_75, %and3A_90 : vector<16xi32>
    %ge3A_92 = arith.constant 0 : i32
    %ge3A_93 = vector.broadcast %ge3A_92 : i32 to vector<16xi32>
    %ge3A_94 = arith.cmpi sge, %get3A_75, %ge3A_93 : vector<16xi32>
    tpu.vector_store_idx %arg11[%add3A_88, %and3A_91], %get3A_77 masked %ge3A_94 : memref<640x128xf32, #tpu.memory_space<vmem>>[vector<16xi32>, vector<16xi32>], vector<16xf32>, vector<16xi1>
    %mul3A_95 = arith.constant 40 : i32
    %mul3A_96 = vector.broadcast %mul3A_95 : i32 to vector<16xi32>
    %mul3A_97 = arith.muli %iota3A, %mul3A_96 : vector<16xi32>
    %shift_right_arithmetic3A_98 = arith.constant 7 : i32
    %shift_right_arithmetic3A_99 = vector.broadcast %shift_right_arithmetic3A_98 : i32 to vector<16xi32>
    %shift_right_arithmetic3A_100 = arith.shrsi %get3A_79, %shift_right_arithmetic3A_99 : vector<16xi32>
    %add3A_101 = arith.addi %mul3A_97, %shift_right_arithmetic3A_100 : vector<16xi32>
    %and3A_102 = arith.constant 127 : i32
    %and3A_103 = vector.broadcast %and3A_102 : i32 to vector<16xi32>
    %and3A_104 = arith.andi %get3A_79, %and3A_103 : vector<16xi32>
    %ge3A_105 = arith.constant 0 : i32
    %ge3A_106 = vector.broadcast %ge3A_105 : i32 to vector<16xi32>
    %ge3A_107 = arith.cmpi sge, %get3A_79, %ge3A_106 : vector<16xi32>
    tpu.vector_store_idx %arg11[%add3A_101, %and3A_104], %get3A_81 masked %ge3A_107 : memref<640x128xf32, #tpu.memory_space<vmem>>[vector<16xi32>, vector<16xi32>], vector<16xf32>, vector<16xi1>
    %add3A_108 = arith.constant 16 : i32
    %add3A_109 = arith.addi %mul3A_2, %add3A_108 : i32
    %mul3A_110 = arith.constant 40 : i32
    %mul3A_111 = arith.muli %add3A_109, %mul3A_110 : i32
    "tpu.region"() ({
      %run_scoped3A = tpu.sem_alloc : memref<!tpu.dma_semaphore, #tpu.memory_space<semaphore_mem>>
      %dma_start3A = arith.constant 0 : i32
      %dma_start3A_248 = tpu.memref_slice %arg6[%mul3A_111, %dma_start3A] : memref<81920x128xf32, #tpu.memory_space<hbm>> -> memref<640x128xf32, #tpu.memory_space<hbm>>
      %dma_start3A_249 = arith.constant 0 : i32
      %dma_start3A_250 = tpu.memref_slice %arg6[%mul3A_111, %dma_start3A_249] : memref<81920x128xf32, #tpu.memory_space<hbm>> -> memref<640x128xf32, #tpu.memory_space<hbm>>
      tpu.enqueue_dma source(%arg11 : memref<640x128xf32, #tpu.memory_space<vmem>>) target(%dma_start3A_250 : memref<640x128xf32, #tpu.memory_space<hbm>>) target_semaphore(%run_scoped3A : memref<!tpu.dma_semaphore, #tpu.memory_space<semaphore_mem>>)
      %dma_wait3A = arith.constant 0 : i32
      %dma_wait3A_251 = tpu.memref_slice %arg6[%mul3A_111, %dma_wait3A] : memref<81920x128xf32, #tpu.memory_space<hbm>> -> memref<640x128xf32, #tpu.memory_space<hbm>>
      %dma_wait3A_252 = arith.constant 0 : i32
      %dma_wait3A_253 = tpu.memref_slice %arg6[%mul3A_111, %dma_wait3A_252] : memref<81920x128xf32, #tpu.memory_space<hbm>> -> memref<640x128xf32, #tpu.memory_space<hbm>>
      tpu.wait_dma2 semaphore(%run_scoped3A : memref<!tpu.dma_semaphore, #tpu.memory_space<semaphore_mem>>) src(%arg11 : memref<640x128xf32, #tpu.memory_space<vmem>>) dst(%dma_wait3A_253 : memref<640x128xf32, #tpu.memory_space<hbm>>)
      tpu.yield
    }) : () -> ()
    %get3A_112 = arith.constant 16 : index
    %get3A_113 = tpu.vector_load %arg7[%get3A_112] {strides = array<i32>} : memref<64xi32, #tpu.memory_space<vmem>>, vector<16xi32>,
    %get3A_114 = arith.constant 16 : index
    %get3A_115 = tpu.vector_load %arg8[%get3A_114] {strides = array<i32>} : memref<64xi32, #tpu.memory_space<vmem>>, vector<16xi32>,
    %mul3A_116 = arith.constant 40 : i32
    %mul3A_117 = vector.broadcast %mul3A_116 : i32 to vector<16xi32>
    %mul3A_118 = arith.muli %iota3A, %mul3A_117 : vector<16xi32>
    %shift_right_arithmetic3A_119 = arith.constant 7 : i32
    %shift_right_arithmetic3A_120 = vector.broadcast %shift_right_arithmetic3A_119 : i32 to vector<16xi32>
    %shift_right_arithmetic3A_121 = arith.shrsi %get3A_113, %shift_right_arithmetic3A_120 : vector<16xi32>
    %add3A_122 = arith.addi %mul3A_118, %shift_right_arithmetic3A_121 : vector<16xi32>
    %and3A_123 = arith.constant 127 : i32
    %and3A_124 = vector.broadcast %and3A_123 : i32 to vector<16xi32>
    %and3A_125 = arith.andi %get3A_113, %and3A_124 : vector<16xi32>
    %ge3A_126 = arith.constant 0 : i32
    %ge3A_127 = vector.broadcast %ge3A_126 : i32 to vector<16xi32>
    %ge3A_128 = arith.cmpi sge, %get3A_113, %ge3A_127 : vector<16xi32>
    tpu.vector_store_idx %arg11[%add3A_122, %and3A_125], %broadcast_in_dim3A_3 masked %ge3A_128 : memref<640x128xf32, #tpu.memory_space<vmem>>[vector<16xi32>, vector<16xi32>], vector<16xf32>, vector<16xi1>
    %mul3A_129 = arith.constant 40 : i32
    %mul3A_130 = vector.broadcast %mul3A_129 : i32 to vector<16xi32>
    %mul3A_131 = arith.muli %iota3A, %mul3A_130 : vector<16xi32>
    %shift_right_arithmetic3A_132 = arith.constant 7 : i32
    %shift_right_arithmetic3A_133 = vector.broadcast %shift_right_arithmetic3A_132 : i32 to vector<16xi32>
    %shift_right_arithmetic3A_134 = arith.shrsi %get3A_115, %shift_right_arithmetic3A_133 : vector<16xi32>
    %add3A_135 = arith.addi %mul3A_131, %shift_right_arithmetic3A_134 : vector<16xi32>
    %and3A_136 = arith.constant 127 : i32
    %and3A_137 = vector.broadcast %and3A_136 : i32 to vector<16xi32>
    %and3A_138 = arith.andi %get3A_115, %and3A_137 : vector<16xi32>
    %ge3A_139 = arith.constant 0 : i32
    %ge3A_140 = vector.broadcast %ge3A_139 : i32 to vector<16xi32>
    %ge3A_141 = arith.cmpi sge, %get3A_115, %ge3A_140 : vector<16xi32>
    tpu.vector_store_idx %arg11[%add3A_135, %and3A_138], %broadcast_in_dim3A_3 masked %ge3A_141 : memref<640x128xf32, #tpu.memory_space<vmem>>[vector<16xi32>, vector<16xi32>], vector<16xf32>, vector<16xi1>
    %get3A_142 = arith.constant 32 : index
    %get3A_143 = tpu.vector_load %arg7[%get3A_142] {strides = array<i32>} : memref<64xi32, #tpu.memory_space<vmem>>, vector<16xi32>,
    %get3A_144 = arith.constant 32 : index
    %get3A_145 = tpu.vector_load %arg9[%get3A_144] {strides = array<i32>} : memref<64xf32, #tpu.memory_space<vmem>>, vector<16xf32>,
    %get3A_146 = arith.constant 32 : index
    %get3A_147 = tpu.vector_load %arg8[%get3A_146] {strides = array<i32>} : memref<64xi32, #tpu.memory_space<vmem>>, vector<16xi32>,
    %get3A_148 = arith.constant 32 : index
    %get3A_149 = tpu.vector_load %arg10[%get3A_148] {strides = array<i32>} : memref<64xf32, #tpu.memory_space<vmem>>, vector<16xf32>,
    %mul3A_150 = arith.constant 40 : i32
    %mul3A_151 = vector.broadcast %mul3A_150 : i32 to vector<16xi32>
    %mul3A_152 = arith.muli %iota3A, %mul3A_151 : vector<16xi32>
    %shift_right_arithmetic3A_153 = arith.constant 7 : i32
    %shift_right_arithmetic3A_154 = vector.broadcast %shift_right_arithmetic3A_153 : i32 to vector<16xi32>
    %shift_right_arithmetic3A_155 = arith.shrsi %get3A_143, %shift_right_arithmetic3A_154 : vector<16xi32>
    %add3A_156 = arith.addi %mul3A_152, %shift_right_arithmetic3A_155 : vector<16xi32>
    %and3A_157 = arith.constant 127 : i32
    %and3A_158 = vector.broadcast %and3A_157 : i32 to vector<16xi32>
    %and3A_159 = arith.andi %get3A_143, %and3A_158 : vector<16xi32>
    %ge3A_160 = arith.constant 0 : i32
    %ge3A_161 = vector.broadcast %ge3A_160 : i32 to vector<16xi32>
    %ge3A_162 = arith.cmpi sge, %get3A_143, %ge3A_161 : vector<16xi32>
    tpu.vector_store_idx %arg11[%add3A_156, %and3A_159], %get3A_145 masked %ge3A_162 : memref<640x128xf32, #tpu.memory_space<vmem>>[vector<16xi32>, vector<16xi32>], vector<16xf32>, vector<16xi1>
    %mul3A_163 = arith.constant 40 : i32
    %mul3A_164 = vector.broadcast %mul3A_163 : i32 to vector<16xi32>
    %mul3A_165 = arith.muli %iota3A, %mul3A_164 : vector<16xi32>
    %shift_right_arithmetic3A_166 = arith.constant 7 : i32
    %shift_right_arithmetic3A_167 = vector.broadcast %shift_right_arithmetic3A_166 : i32 to vector<16xi32>
    %shift_right_arithmetic3A_168 = arith.shrsi %get3A_147, %shift_right_arithmetic3A_167 : vector<16xi32>
    %add3A_169 = arith.addi %mul3A_165, %shift_right_arithmetic3A_168 : vector<16xi32>
    %and3A_170 = arith.constant 127 : i32
    %and3A_171 = vector.broadcast %and3A_170 : i32 to vector<16xi32>
    %and3A_172 = arith.andi %get3A_147, %and3A_171 : vector<16xi32>
    %ge3A_173 = arith.constant 0 : i32
    %ge3A_174 = vector.broadcast %ge3A_173 : i32 to vector<16xi32>
    %ge3A_175 = arith.cmpi sge, %get3A_147, %ge3A_174 : vector<16xi32>
    tpu.vector_store_idx %arg11[%add3A_169, %and3A_172], %get3A_149 masked %ge3A_175 : memref<640x128xf32, #tpu.memory_space<vmem>>[vector<16xi32>, vector<16xi32>], vector<16xf32>, vector<16xi1>
    %add3A_176 = arith.constant 32 : i32
    %add3A_177 = arith.addi %mul3A_2, %add3A_176 : i32
    %mul3A_178 = arith.constant 40 : i32
    %mul3A_179 = arith.muli %add3A_177, %mul3A_178 : i32
    "tpu.region"() ({
      %run_scoped3A = tpu.sem_alloc : memref<!tpu.dma_semaphore, #tpu.memory_space<semaphore_mem>>
      %dma_start3A = arith.constant 0 : i32
      %dma_start3A_248 = tpu.memref_slice %arg6[%mul3A_179, %dma_start3A] : memref<81920x128xf32, #tpu.memory_space<hbm>> -> memref<640x128xf32, #tpu.memory_space<hbm>>
      %dma_start3A_249 = arith.constant 0 : i32
      %dma_start3A_250 = tpu.memref_slice %arg6[%mul3A_179, %dma_start3A_249] : memref<81920x128xf32, #tpu.memory_space<hbm>> -> memref<640x128xf32, #tpu.memory_space<hbm>>
      tpu.enqueue_dma source(%arg11 : memref<640x128xf32, #tpu.memory_space<vmem>>) target(%dma_start3A_250 : memref<640x128xf32, #tpu.memory_space<hbm>>) target_semaphore(%run_scoped3A : memref<!tpu.dma_semaphore, #tpu.memory_space<semaphore_mem>>)
      %dma_wait3A = arith.constant 0 : i32
      %dma_wait3A_251 = tpu.memref_slice %arg6[%mul3A_179, %dma_wait3A] : memref<81920x128xf32, #tpu.memory_space<hbm>> -> memref<640x128xf32, #tpu.memory_space<hbm>>
      %dma_wait3A_252 = arith.constant 0 : i32
      %dma_wait3A_253 = tpu.memref_slice %arg6[%mul3A_179, %dma_wait3A_252] : memref<81920x128xf32, #tpu.memory_space<hbm>> -> memref<640x128xf32, #tpu.memory_space<hbm>>
      tpu.wait_dma2 semaphore(%run_scoped3A : memref<!tpu.dma_semaphore, #tpu.memory_space<semaphore_mem>>) src(%arg11 : memref<640x128xf32, #tpu.memory_space<vmem>>) dst(%dma_wait3A_253 : memref<640x128xf32, #tpu.memory_space<hbm>>)
      tpu.yield
    }) : () -> ()
    %get3A_180 = arith.constant 32 : index
    %get3A_181 = tpu.vector_load %arg7[%get3A_180] {strides = array<i32>} : memref<64xi32, #tpu.memory_space<vmem>>, vector<16xi32>,
    %get3A_182 = arith.constant 32 : index
    %get3A_183 = tpu.vector_load %arg8[%get3A_182] {strides = array<i32>} : memref<64xi32, #tpu.memory_space<vmem>>, vector<16xi32>,
    %mul3A_184 = arith.constant 40 : i32
    %mul3A_185 = vector.broadcast %mul3A_184 : i32 to vector<16xi32>
    %mul3A_186 = arith.muli %iota3A, %mul3A_185 : vector<16xi32>
    %shift_right_arithmetic3A_187 = arith.constant 7 : i32
    %shift_right_arithmetic3A_188 = vector.broadcast %shift_right_arithmetic3A_187 : i32 to vector<16xi32>
    %shift_right_arithmetic3A_189 = arith.shrsi %get3A_181, %shift_right_arithmetic3A_188 : vector<16xi32>
    %add3A_190 = arith.addi %mul3A_186, %shift_right_arithmetic3A_189 : vector<16xi32>
    %and3A_191 = arith.constant 127 : i32
    %and3A_192 = vector.broadcast %and3A_191 : i32 to vector<16xi32>
    %and3A_193 = arith.andi %get3A_181, %and3A_192 : vector<16xi32>
    %ge3A_194 = arith.constant 0 : i32
    %ge3A_195 = vector.broadcast %ge3A_194 : i32 to vector<16xi32>
    %ge3A_196 = arith.cmpi sge, %get3A_181, %ge3A_195 : vector<16xi32>
    tpu.vector_store_idx %arg11[%add3A_190, %and3A_193], %broadcast_in_dim3A_3 masked %ge3A_196 : memref<640x128xf32, #tpu.memory_space<vmem>>[vector<16xi32>, vector<16xi32>], vector<16xf32>, vector<16xi1>
    %mul3A_197 = arith.constant 40 : i32
    %mul3A_198 = vector.broadcast %mul3A_197 : i32 to vector<16xi32>
    %mul3A_199 = arith.muli %iota3A, %mul3A_198 : vector<16xi32>
    %shift_right_arithmetic3A_200 = arith.constant 7 : i32
    %shift_right_arithmetic3A_201 = vector.broadcast %shift_right_arithmetic3A_200 : i32 to vector<16xi32>
    %shift_right_arithmetic3A_202 = arith.shrsi %get3A_183, %shift_right_arithmetic3A_201 : vector<16xi32>
    %add3A_203 = arith.addi %mul3A_199, %shift_right_arithmetic3A_202 : vector<16xi32>
    %and3A_204 = arith.constant 127 : i32
    %and3A_205 = vector.broadcast %and3A_204 : i32 to vector<16xi32>
    %and3A_206 = arith.andi %get3A_183, %and3A_205 : vector<16xi32>
    %ge3A_207 = arith.constant 0 : i32
    %ge3A_208 = vector.broadcast %ge3A_207 : i32 to vector<16xi32>
    %ge3A_209 = arith.cmpi sge, %get3A_183, %ge3A_208 : vector<16xi32>
    tpu.vector_store_idx %arg11[%add3A_203, %and3A_206], %broadcast_in_dim3A_3 masked %ge3A_209 : memref<640x128xf32, #tpu.memory_space<vmem>>[vector<16xi32>, vector<16xi32>], vector<16xf32>, vector<16xi1>
    %get3A_210 = arith.constant 48 : index
    %get3A_211 = tpu.vector_load %arg7[%get3A_210] {strides = array<i32>} : memref<64xi32, #tpu.memory_space<vmem>>, vector<16xi32>,
    %get3A_212 = arith.constant 48 : index
    %get3A_213 = tpu.vector_load %arg9[%get3A_212] {strides = array<i32>} : memref<64xf32, #tpu.memory_space<vmem>>, vector<16xf32>,
    %get3A_214 = arith.constant 48 : index
    %get3A_215 = tpu.vector_load %arg8[%get3A_214] {strides = array<i32>} : memref<64xi32, #tpu.memory_space<vmem>>, vector<16xi32>,
    %get3A_216 = arith.constant 48 : index
    %get3A_217 = tpu.vector_load %arg10[%get3A_216] {strides = array<i32>} : memref<64xf32, #tpu.memory_space<vmem>>, vector<16xf32>,
    %mul3A_218 = arith.constant 40 : i32
    %mul3A_219 = vector.broadcast %mul3A_218 : i32 to vector<16xi32>
    %mul3A_220 = arith.muli %iota3A, %mul3A_219 : vector<16xi32>
    %shift_right_arithmetic3A_221 = arith.constant 7 : i32
    %shift_right_arithmetic3A_222 = vector.broadcast %shift_right_arithmetic3A_221 : i32 to vector<16xi32>
    %shift_right_arithmetic3A_223 = arith.shrsi %get3A_211, %shift_right_arithmetic3A_222 : vector<16xi32>
    %add3A_224 = arith.addi %mul3A_220, %shift_right_arithmetic3A_223 : vector<16xi32>
    %and3A_225 = arith.constant 127 : i32
    %and3A_226 = vector.broadcast %and3A_225 : i32 to vector<16xi32>
    %and3A_227 = arith.andi %get3A_211, %and3A_226 : vector<16xi32>
    %ge3A_228 = arith.constant 0 : i32
    %ge3A_229 = vector.broadcast %ge3A_228 : i32 to vector<16xi32>
    %ge3A_230 = arith.cmpi sge, %get3A_211, %ge3A_229 : vector<16xi32>
    tpu.vector_store_idx %arg11[%add3A_224, %and3A_227], %get3A_213 masked %ge3A_230 : memref<640x128xf32, #tpu.memory_space<vmem>>[vector<16xi32>, vector<16xi32>], vector<16xf32>, vector<16xi1>
    %mul3A_231 = arith.constant 40 : i32
    %mul3A_232 = vector.broadcast %mul3A_231 : i32 to vector<16xi32>
    %mul3A_233 = arith.muli %iota3A, %mul3A_232 : vector<16xi32>
    %shift_right_arithmetic3A_234 = arith.constant 7 : i32
    %shift_right_arithmetic3A_235 = vector.broadcast %shift_right_arithmetic3A_234 : i32 to vector<16xi32>
    %shift_right_arithmetic3A_236 = arith.shrsi %get3A_215, %shift_right_arithmetic3A_235 : vector<16xi32>
    %add3A_237 = arith.addi %mul3A_233, %shift_right_arithmetic3A_236 : vector<16xi32>
    %and3A_238 = arith.constant 127 : i32
    %and3A_239 = vector.broadcast %and3A_238 : i32 to vector<16xi32>
    %and3A_240 = arith.andi %get3A_215, %and3A_239 : vector<16xi32>
    %ge3A_241 = arith.constant 0 : i32
    %ge3A_242 = vector.broadcast %ge3A_241 : i32 to vector<16xi32>
    %ge3A_243 = arith.cmpi sge, %get3A_215, %ge3A_242 : vector<16xi32>
    tpu.vector_store_idx %arg11[%add3A_237, %and3A_240], %get3A_217 masked %ge3A_243 : memref<640x128xf32, #tpu.memory_space<vmem>>[vector<16xi32>, vector<16xi32>], vector<16xf32>, vector<16xi1>
    %add3A_244 = arith.constant 48 : i32
    %add3A_245 = arith.addi %mul3A_2, %add3A_244 : i32
    %mul3A_246 = arith.constant 40 : i32
    %mul3A_247 = arith.muli %add3A_245, %mul3A_246 : i32
    "tpu.region"() ({
      %run_scoped3A = tpu.sem_alloc : memref<!tpu.dma_semaphore, #tpu.memory_space<semaphore_mem>>
      %dma_start3A = arith.constant 0 : i32
      %dma_start3A_248 = tpu.memref_slice %arg6[%mul3A_247, %dma_start3A] : memref<81920x128xf32, #tpu.memory_space<hbm>> -> memref<640x128xf32, #tpu.memory_space<hbm>>
      %dma_start3A_249 = arith.constant 0 : i32
      %dma_start3A_250 = tpu.memref_slice %arg6[%mul3A_247, %dma_start3A_249] : memref<81920x128xf32, #tpu.memory_space<hbm>> -> memref<640x128xf32, #tpu.memory_space<hbm>>
      tpu.enqueue_dma source(%arg11 : memref<640x128xf32, #tpu.memory_space<vmem>>) target(%dma_start3A_250 : memref<640x128xf32, #tpu.memory_space<hbm>>) target_semaphore(%run_scoped3A : memref<!tpu.dma_semaphore, #tpu.memory_space<semaphore_mem>>)
      %dma_wait3A = arith.constant 0 : i32
      %dma_wait3A_251 = tpu.memref_slice %arg6[%mul3A_247, %dma_wait3A] : memref<81920x128xf32, #tpu.memory_space<hbm>> -> memref<640x128xf32, #tpu.memory_space<hbm>>
      %dma_wait3A_252 = arith.constant 0 : i32
      %dma_wait3A_253 = tpu.memref_slice %arg6[%mul3A_247, %dma_wait3A_252] : memref<81920x128xf32, #tpu.memory_space<hbm>> -> memref<640x128xf32, #tpu.memory_space<hbm>>
      tpu.wait_dma2 semaphore(%run_scoped3A : memref<!tpu.dma_semaphore, #tpu.memory_space<semaphore_mem>>) src(%arg11 : memref<640x128xf32, #tpu.memory_space<vmem>>) dst(%dma_wait3A_253 : memref<640x128xf32, #tpu.memory_space<hbm>>)
      tpu.yield
    }) : () -> ()
    return
  }
}

module attributes {stable_mosaic.version = 14 : i64} {
  func.func @_mask_body(%arg0: i32, %arg1: memref<256x8xi32, #tpu.memory_space<vmem>>, %arg2: memref<256x8xf32, #tpu.memory_space<vmem>>, %arg3: memref<256x8x640xi8, #tpu.memory_space<vmem>>) attributes {dimension_semantics = [#tpu.dimension_semantics<arbitrary>], iteration_bounds = array<i64: 8>, scalar_prefetch = 0 : i64, scratch_operands = 0 : i64, tpu.core_type = #tpu.core_type<tc>, window_params = [{transform_indices = @transform_0, window_bounds = array<i64: 256, 8>}, {transform_indices = @transform_1, window_bounds = array<i64: 256, 8>}, {transform_indices = @transform_2, window_bounds = array<i64: 256, 8, 640>}]} {
    %get3A = arith.constant 0 : index
    %get3A_0 = arith.constant 0 : index
    %get3A_1 = vector.load %arg1[%get3A, %get3A_0] : memref<256x8xi32, #tpu.memory_space<vmem>>, vector<256x8xi32>
    %get3A_2 = arith.constant 0 : index
    %get3A_3 = arith.constant 0 : index
    %get3A_4 = vector.load %arg2[%get3A_2, %get3A_3] : memref<256x8xf32, #tpu.memory_space<vmem>>, vector<256x8xf32>
    %slice3A = vector.extract_strided_slice %get3A_1 {offsets = [0, 0], sizes = [256, 1], strides = [1, 1]} : vector<256x8xi32> to vector<256x1xi32>
    %broadcast_in_dim3A = vector.shape_cast %slice3A : vector<256x1xi32> to vector<256x1x1xi32>
    %slice3A_5 = vector.extract_strided_slice %get3A_1 {offsets = [0, 1], sizes = [256, 1], strides = [1, 1]} : vector<256x8xi32> to vector<256x1xi32>
    %broadcast_in_dim3A_6 = vector.shape_cast %slice3A_5 : vector<256x1xi32> to vector<256x1x1xi32>
    %slice3A_7 = vector.extract_strided_slice %get3A_4 {offsets = [0, 0], sizes = [256, 1], strides = [1, 1]} : vector<256x8xf32> to vector<256x1xf32>
    %broadcast_in_dim3A_8 = vector.shape_cast %slice3A_7 : vector<256x1xf32> to vector<256x1x1xf32>
    %slice3A_9 = vector.extract_strided_slice %get3A_4 {offsets = [0, 1], sizes = [256, 1], strides = [1, 1]} : vector<256x8xf32> to vector<256x1xf32>
    %broadcast_in_dim3A_10 = vector.shape_cast %slice3A_9 : vector<256x1xf32> to vector<256x1x1xf32>
    %iota3A = tpu.iota {dimensions = array<i32: 1>} : vector<256x8x640xi32>
    %iota3A_11 = tpu.iota {dimensions = array<i32: 2>} : vector<256x8x640xi32>
    %mul3A = arith.constant 640 : i32
    %mul3A_12 = vector.broadcast %mul3A : i32 to vector<256x8x640xi32>
    %mul3A_13 = arith.muli %iota3A, %mul3A_12 : vector<256x8x640xi32>
    %add3A = arith.addi %mul3A_13, %iota3A_11 : vector<256x8x640xi32>
    %eq3A = vector.broadcast %broadcast_in_dim3A : vector<256x1x1xi32> to vector<256x8x640xi32>
    %eq3A_14 = arith.cmpi eq, %add3A, %eq3A : vector<256x8x640xi32>
    %ne3A = arith.constant 0.000000e+00 : f32
    %ne3A_15 = vector.broadcast %ne3A : f32 to vector<256x1x1xf32>
    %ne3A_16 = arith.cmpf one, %broadcast_in_dim3A_8, %ne3A_15 : vector<256x1x1xf32>
    %and3A = vector.broadcast %ne3A_16 : vector<256x1x1xi1> to vector<256x8x640xi1>
    %and3A_17 = arith.andi %eq3A_14, %and3A : vector<256x8x640xi1>
    %eq3A_18 = vector.broadcast %broadcast_in_dim3A_6 : vector<256x1x1xi32> to vector<256x8x640xi32>
    %eq3A_19 = arith.cmpi eq, %add3A, %eq3A_18 : vector<256x8x640xi32>
    %ne3A_20 = arith.constant 0.000000e+00 : f32
    %ne3A_21 = vector.broadcast %ne3A_20 : f32 to vector<256x1x1xf32>
    %ne3A_22 = arith.cmpf one, %broadcast_in_dim3A_10, %ne3A_21 : vector<256x1x1xf32>
    %and3A_23 = vector.broadcast %ne3A_22 : vector<256x1x1xi1> to vector<256x8x640xi1>
    %and3A_24 = arith.andi %eq3A_19, %and3A_23 : vector<256x8x640xi1>
    %or3A = arith.ori %and3A_17, %and3A_24 : vector<256x8x640xi1>
    %convert_element_type3A = arith.extui %or3A : vector<256x8x640xi1> to vector<256x8x640xi8>
    %swap3A = arith.constant 0 : index
    %swap3A_25 = arith.constant 0 : index
    %swap3A_26 = arith.constant 0 : index
    %swap3A_27 = vector.load %arg3[%swap3A, %swap3A_25, %swap3A_26] : memref<256x8x640xi8, #tpu.memory_space<vmem>>, vector<256x8x640xi8>
    tpu.vector_store %arg3[%swap3A, %swap3A_25, %swap3A_26], %convert_element_type3A {strides = array<i32>} : memref<256x8x640xi8, #tpu.memory_space<vmem>>, vector<256x8x640xi8>,
    return
  }
  func.func @transform_0(%arg0: i32) -> (i32, i32) {
    %c0_i32 = arith.constant 0 : i32
    %c0_i32_0 = arith.constant 0 : i32
    return %arg0, %c0_i32 : i32, i32
  }
  func.func @transform_1(%arg0: i32) -> (i32, i32) {
    %c0_i32 = arith.constant 0 : i32
    %c0_i32_0 = arith.constant 0 : i32
    return %arg0, %c0_i32 : i32, i32
  }
  func.func @transform_2(%arg0: i32) -> (i32, i32, i32) {
    %c0_i32 = arith.constant 0 : i32
    %c0_i32_0 = arith.constant 0 : i32
    %c0_i32_1 = arith.constant 0 : i32
    return %arg0, %c0_i32, %c0_i32_0 : i32, i32, i32
  }
}

module attributes {stable_mosaic.version = 14 : i64} {
  func.func @_route_meta_body(%arg0: i32, %arg1: memref<256x4096xf32, #tpu.memory_space<vmem>>, %arg2: memref<8x4096xf32, #tpu.memory_space<vmem>>, %arg3: memref<2048x8xi32, #tpu.memory_space<vmem>>, %arg4: memref<2048x8xf32, #tpu.memory_space<vmem>>, %arg5: memref<1x8xi32, #tpu.memory_space<vmem>>, %arg6: memref<1x8xf32, #tpu.memory_space<vmem>>, %arg7: memref<1x8xf32, #tpu.memory_space<vmem>>, %arg8: memref<2048x8xf32, #tpu.memory_space<vmem>>, %arg9: memref<2048x8xf32, #tpu.memory_space<vmem>>, %arg10: memref<2048x8xi32, #tpu.memory_space<vmem>>) attributes {dimension_semantics = [#tpu.dimension_semantics<arbitrary>], iteration_bounds = array<i64: 8>, scalar_prefetch = 0 : i64, scratch_operands = 5 : i64, tpu.core_type = #tpu.core_type<tc>, window_params = [{transform_indices = @transform_0, window_bounds = array<i64: 256, 4096>}, {pipeline_mode = #tpu.pipeline_mode<synchronous>, transform_indices = @transform_1, window_bounds = array<i64: 8, 4096>}, {pipeline_mode = #tpu.pipeline_mode<synchronous>, transform_indices = @transform_2, window_bounds = array<i64: 2048, 8>}, {pipeline_mode = #tpu.pipeline_mode<synchronous>, transform_indices = @transform_3, window_bounds = array<i64: 2048, 8>}, {pipeline_mode = #tpu.pipeline_mode<synchronous>, transform_indices = @transform_4, window_bounds = array<i64: 1, 8>}]} {
    %eq3A = arith.constant 0 : i32
    %eq3A_0 = arith.cmpi eq, %arg0, %eq3A : i32
    %convert_element_type3A = arith.extui %eq3A_0 : i1 to i32
    %cond3A = arith.constant 0 : i32
    %cond3A_1 = arith.cmpi ne, %convert_element_type3A, %cond3A : i32
    scf.if %cond3A_1 {
      %broadcast_in_dim3A_160 = arith.constant 0.000000e+00 : f32
      %broadcast_in_dim3A_161 = vector.broadcast %broadcast_in_dim3A_160 : f32 to vector<1x8xf32>
      %swap3A_162 = arith.constant 0 : index
      %swap3A_163 = arith.constant 0 : index
      %swap3A_164 = vector.load %arg6[%swap3A_162, %swap3A_163] : memref<1x8xf32, #tpu.memory_space<vmem>>, vector<1x8xf32>
      tpu.vector_store %arg6[%swap3A_162, %swap3A_163], %broadcast_in_dim3A_161 {strides = array<i32>} : memref<1x8xf32, #tpu.memory_space<vmem>>, vector<1x8xf32>,
      %broadcast_in_dim3A_165 = arith.constant 0.000000e+00 : f32
      %broadcast_in_dim3A_166 = vector.broadcast %broadcast_in_dim3A_165 : f32 to vector<1x8xf32>
      %swap3A_167 = arith.constant 0 : index
      %swap3A_168 = arith.constant 0 : index
      %swap3A_169 = vector.load %arg7[%swap3A_167, %swap3A_168] : memref<1x8xf32, #tpu.memory_space<vmem>>, vector<1x8xf32>
      tpu.vector_store %arg7[%swap3A_167, %swap3A_168], %broadcast_in_dim3A_166 {strides = array<i32>} : memref<1x8xf32, #tpu.memory_space<vmem>>, vector<1x8xf32>,
    } else {
    }
    %get3A = arith.constant 0 : index
    %get3A_2 = arith.constant 0 : index
    %get3A_3 = vector.load %arg1[%get3A, %get3A_2] : memref<256x4096xf32, #tpu.memory_space<vmem>>, vector<256x4096xf32>
    %get3A_4 = arith.constant 0 : index
    %get3A_5 = arith.constant 0 : index
    %get3A_6 = vector.load %arg2[%get3A_4, %get3A_5] : memref<8x4096xf32, #tpu.memory_space<vmem>>, vector<8x4096xf32>
    %dot_general3A = arith.constant dense<0.000000e+00> : vector<256x8xf32>
    %dot_general3A_7 = tpu.matmul %get3A_3, %get3A_6, %dot_general3A {dimension_numbers = #tpu.dot_dimension_numbers<[1], [1], [0], [0], [0, 0, 1, 0], [], []>, transpose_lhs_hint = false} : vector<256x4096xf32>, vector<8x4096xf32>, vector<256x8xf32> -> vector<256x8xf32>
    %iota3A = tpu.iota {dimensions = array<i32: 1>} : vector<256x8xi32>
    %reduce_max3A = arith.constant dense<0xFF800000> : vector<256xf32>
    %reduce_max3A_8 = vector.multi_reduction <maximumf>, %dot_general3A_7, %reduce_max3A [1] : vector<256x8xf32> to vector<256xf32>
    %broadcast_in_dim3A = vector.shape_cast %reduce_max3A_8 : vector<256xf32> to vector<256x1xf32>
    %eq3A_9 = vector.broadcast %broadcast_in_dim3A : vector<256x1xf32> to vector<256x8xf32>
    %eq3A_10 = arith.cmpf oeq, %dot_general3A_7, %eq3A_9 : vector<256x8xf32>
    %jit3A = arith.constant 8 : i32
    %broadcast_in_dim3A_11 = vector.broadcast %jit3A : i32 to vector<256x8xi32>
    %select_n3A = arith.select %eq3A_10, %iota3A, %broadcast_in_dim3A_11 : vector<256x8xi1>, vector<256x8xi32>
    %reduce_min3A = arith.constant dense<2147483647> : vector<256xi32>
    %reduce_min3A_12 = vector.multi_reduction <minsi>, %select_n3A, %reduce_min3A [1] : vector<256x8xi32> to vector<256xi32>
    %broadcast_in_dim3A_13 = vector.shape_cast %reduce_min3A_12 : vector<256xi32> to vector<256x1xi32>
    %eq3A_14 = vector.broadcast %broadcast_in_dim3A_13 : vector<256x1xi32> to vector<256x8xi32>
    %eq3A_15 = arith.cmpi eq, %iota3A, %eq3A_14 : vector<256x8xi32>
    %jit3A_16 = arith.constant 0xFF800000 : f32
    %broadcast_in_dim3A_17 = vector.broadcast %jit3A_16 : f32 to vector<256x8xf32>
    %select_n3A_18 = arith.select %eq3A_15, %broadcast_in_dim3A_17, %dot_general3A_7 : vector<256x8xi1>, vector<256x8xf32>
    %reduce_max3A_19 = arith.constant dense<0xFF800000> : vector<256xf32>
    %reduce_max3A_20 = vector.multi_reduction <maximumf>, %select_n3A_18, %reduce_max3A_19 [1] : vector<256x8xf32> to vector<256xf32>
    %broadcast_in_dim3A_21 = vector.shape_cast %reduce_max3A_20 : vector<256xf32> to vector<256x1xf32>
    %eq3A_22 = vector.broadcast %broadcast_in_dim3A_21 : vector<256x1xf32> to vector<256x8xf32>
    %eq3A_23 = arith.cmpf oeq, %select_n3A_18, %eq3A_22 : vector<256x8xf32>
    %jit3A_24 = arith.constant 8 : i32
    %broadcast_in_dim3A_25 = vector.broadcast %jit3A_24 : i32 to vector<256x8xi32>
    %select_n3A_26 = arith.select %eq3A_23, %iota3A, %broadcast_in_dim3A_25 : vector<256x8xi1>, vector<256x8xi32>
    %reduce_min3A_27 = arith.constant dense<2147483647> : vector<256xi32>
    %reduce_min3A_28 = vector.multi_reduction <minsi>, %select_n3A_26, %reduce_min3A_27 [1] : vector<256x8xi32> to vector<256xi32>
    %broadcast_in_dim3A_29 = vector.shape_cast %reduce_min3A_28 : vector<256xi32> to vector<256x1xi32>
    %eq3A_30 = vector.broadcast %broadcast_in_dim3A_29 : vector<256x1xi32> to vector<256x8xi32>
    %eq3A_31 = arith.cmpi eq, %iota3A, %eq3A_30 : vector<256x8xi32>
    %sub3A = arith.subf %broadcast_in_dim3A_21, %broadcast_in_dim3A : vector<256x1xf32>
    %exp3A = math.exp %sub3A : vector<256x1xf32>
    %add3A = arith.constant 1.000000e+00 : f32
    %add3A_32 = vector.broadcast %add3A : f32 to vector<256x1xf32>
    %add3A_33 = arith.addf %add3A_32, %exp3A : vector<256x1xf32>
    %div3A = arith.constant 1.000000e+00 : f32
    %div3A_34 = vector.broadcast %div3A : f32 to vector<256x1xf32>
    %div3A_35 = arith.divf %div3A_34, %add3A_33 : vector<256x1xf32>
    %mul3A = arith.mulf %exp3A, %div3A_35 : vector<256x1xf32>
    %convert_element_type3A_36 = arith.extui %eq3A_15 : vector<256x8xi1> to vector<256x8xi32>
    %convert_element_type3A_37 = arith.sitofp %convert_element_type3A_36 : vector<256x8xi32> to vector<256x8xf32>
    %convert_element_type3A_38 = arith.extui %eq3A_31 : vector<256x8xi1> to vector<256x8xi32>
    %convert_element_type3A_39 = arith.sitofp %convert_element_type3A_38 : vector<256x8xi32> to vector<256x8xf32>
    %iota3A_40 = tpu.iota {dimensions = array<i32: 0>} : vector<256x256xi32>
    %iota3A_41 = tpu.iota {dimensions = array<i32: 1>} : vector<256x256xi32>
    %gt3A = arith.cmpi sgt, %iota3A_40, %iota3A_41 : vector<256x256xi32>
    %convert_element_type3A_42 = arith.extui %gt3A : vector<256x256xi1> to vector<256x256xi32>
    %convert_element_type3A_43 = arith.sitofp %convert_element_type3A_42 : vector<256x256xi32> to vector<256x256xf32>
    %dot_general3A_44 = arith.constant dense<0.000000e+00> : vector<256x8xf32>
    %dot_general3A_45 = tpu.matmul %convert_element_type3A_43, %convert_element_type3A_37, %dot_general3A_44 {dimension_numbers = #tpu.dot_dimension_numbers<[1], [0], [0], [1], [0, 0, 1, 1], [], []>, transpose_lhs_hint = false} : vector<256x256xf32>, vector<256x8xf32>, vector<256x8xf32> -> vector<256x8xf32>
    %dot_general3A_46 = arith.constant dense<0.000000e+00> : vector<256x8xf32>
    %dot_general3A_47 = tpu.matmul %convert_element_type3A_43, %convert_element_type3A_39, %dot_general3A_46 {dimension_numbers = #tpu.dot_dimension_numbers<[1], [0], [0], [1], [0, 0, 1, 1], [], []>, transpose_lhs_hint = false} : vector<256x256xf32>, vector<256x8xf32>, vector<256x8xf32> -> vector<256x8xf32>
    %reduce_sum3A = arith.constant dense<0.000000e+00> : vector<8xf32>
    %reduce_sum3A_48 = vector.multi_reduction <add>, %convert_element_type3A_37, %reduce_sum3A [0] : vector<256x8xf32> to vector<8xf32>
    %broadcast_in_dim3A_49 = vector.shape_cast %reduce_sum3A_48 : vector<8xf32> to vector<1x8xf32>
    %reduce_sum3A_50 = arith.constant dense<0.000000e+00> : vector<8xf32>
    %reduce_sum3A_51 = vector.multi_reduction <add>, %convert_element_type3A_39, %reduce_sum3A_50 [0] : vector<256x8xf32> to vector<8xf32>
    %broadcast_in_dim3A_52 = vector.shape_cast %reduce_sum3A_51 : vector<8xf32> to vector<1x8xf32>
    %get3A_53 = arith.constant 0 : index
    %get3A_54 = arith.constant 0 : index
    %get3A_55 = vector.load %arg6[%get3A_53, %get3A_54] : memref<1x8xf32, #tpu.memory_space<vmem>>, vector<1x8xf32>
    %get3A_56 = arith.constant 0 : index
    %get3A_57 = arith.constant 0 : index
    %get3A_58 = vector.load %arg7[%get3A_56, %get3A_57] : memref<1x8xf32, #tpu.memory_space<vmem>>, vector<1x8xf32>
    %add3A_59 = vector.broadcast %get3A_55 : vector<1x8xf32> to vector<256x8xf32>
    %add3A_60 = arith.addf %dot_general3A_45, %add3A_59 : vector<256x8xf32>
    %jit3A_61 = arith.constant 0.000000e+00 : f32
    %broadcast_in_dim3A_62 = vector.broadcast %jit3A_61 : f32 to vector<256x8xf32>
    %select_n3A_63 = arith.select %eq3A_15, %add3A_60, %broadcast_in_dim3A_62 : vector<256x8xi1>, vector<256x8xf32>
    %reduce_sum3A_64 = arith.constant dense<0.000000e+00> : vector<256xf32>
    %reduce_sum3A_65 = vector.multi_reduction <add>, %select_n3A_63, %reduce_sum3A_64 [1] : vector<256x8xf32> to vector<256xf32>
    %broadcast_in_dim3A_66 = vector.shape_cast %reduce_sum3A_65 : vector<256xf32> to vector<256x1xf32>
    %convert_element_type3A_67 = arith.fptosi %broadcast_in_dim3A_66 : vector<256x1xf32> to vector<256x1xi32>
    %lt3A = arith.constant 640 : i32
    %lt3A_68 = vector.broadcast %lt3A : i32 to vector<256x1xi32>
    %lt3A_69 = arith.cmpi slt, %convert_element_type3A_67, %lt3A_68 : vector<256x1xi32>
    %mul3A_70 = arith.constant 640 : i32
    %mul3A_71 = vector.broadcast %mul3A_70 : i32 to vector<256x1xi32>
    %mul3A_72 = arith.muli %broadcast_in_dim3A_13, %mul3A_71 : vector<256x1xi32>
    %add3A_73 = arith.addi %mul3A_72, %convert_element_type3A_67 : vector<256x1xi32>
    %jit3A_74 = arith.constant -1 : i32
    %broadcast_in_dim3A_75 = vector.broadcast %jit3A_74 : i32 to vector<256x1xi32>
    %select_n3A_76 = arith.select %lt3A_69, %add3A_73, %broadcast_in_dim3A_75 : vector<256x1xi1>, vector<256x1xi32>
    %lt3A_77 = arith.constant 640 : i32
    %lt3A_78 = vector.broadcast %lt3A_77 : i32 to vector<256x1xi32>
    %lt3A_79 = arith.cmpi slt, %convert_element_type3A_67, %lt3A_78 : vector<256x1xi32>
    %shift_right_arithmetic3A = arith.constant 7 : i32
    %shift_right_arithmetic3A_80 = vector.broadcast %shift_right_arithmetic3A : i32 to vector<256x1xi32>
    %shift_right_arithmetic3A_81 = arith.shrsi %convert_element_type3A_67, %shift_right_arithmetic3A_80 : vector<256x1xi32>
    %mul3A_82 = arith.constant 1024 : i32
    %mul3A_83 = vector.broadcast %mul3A_82 : i32 to vector<256x1xi32>
    %mul3A_84 = arith.muli %shift_right_arithmetic3A_81, %mul3A_83 : vector<256x1xi32>
    %mul3A_85 = arith.constant 128 : i32
    %mul3A_86 = vector.broadcast %mul3A_85 : i32 to vector<256x1xi32>
    %mul3A_87 = arith.muli %broadcast_in_dim3A_13, %mul3A_86 : vector<256x1xi32>
    %add3A_88 = arith.addi %mul3A_84, %mul3A_87 : vector<256x1xi32>
    %and3A = arith.constant 127 : i32
    %and3A_89 = vector.broadcast %and3A : i32 to vector<256x1xi32>
    %and3A_90 = arith.andi %convert_element_type3A_67, %and3A_89 : vector<256x1xi32>
    %add3A_91 = arith.addi %add3A_88, %and3A_90 : vector<256x1xi32>
    %jit3A_92 = arith.constant -1 : i32
    %broadcast_in_dim3A_93 = vector.broadcast %jit3A_92 : i32 to vector<256x1xi32>
    %select_n3A_94 = arith.select %lt3A_79, %add3A_91, %broadcast_in_dim3A_93 : vector<256x1xi1>, vector<256x1xi32>
    %add3A_95 = vector.broadcast %get3A_58 : vector<1x8xf32> to vector<256x8xf32>
    %add3A_96 = arith.addf %dot_general3A_47, %add3A_95 : vector<256x8xf32>
    %jit3A_97 = arith.constant 0.000000e+00 : f32
    %broadcast_in_dim3A_98 = vector.broadcast %jit3A_97 : f32 to vector<256x8xf32>
    %select_n3A_99 = arith.select %eq3A_31, %add3A_96, %broadcast_in_dim3A_98 : vector<256x8xi1>, vector<256x8xf32>
    %reduce_sum3A_100 = arith.constant dense<0.000000e+00> : vector<256xf32>
    %reduce_sum3A_101 = vector.multi_reduction <add>, %select_n3A_99, %reduce_sum3A_100 [1] : vector<256x8xf32> to vector<256xf32>
    %broadcast_in_dim3A_102 = vector.shape_cast %reduce_sum3A_101 : vector<256xf32> to vector<256x1xf32>
    %mul3A_103 = arith.constant 256 : i32
    %mul3A_104 = arith.muli %arg0, %mul3A_103 : i32
    %eq3A_105 = arith.constant 0 : i32
    %eq3A_106 = vector.broadcast %eq3A_105 : i32 to vector<256x8xi32>
    %eq3A_107 = arith.cmpi eq, %iota3A, %eq3A_106 : vector<256x8xi32>
    %eq3A_108 = arith.constant 2 : i32
    %eq3A_109 = vector.broadcast %eq3A_108 : i32 to vector<256x8xi32>
    %eq3A_110 = arith.cmpi eq, %iota3A, %eq3A_109 : vector<256x8xi32>
    %jit3A_111 = arith.constant -1 : i32
    %broadcast_in_dim3A_112 = vector.shape_cast %select_n3A_94 : vector<256x1xi32> to vector<256x1xi32>
    %broadcast_in_dim3A_113 = vector.broadcast %broadcast_in_dim3A_112 : vector<256x1xi32> to vector<256x8xi32>
    %broadcast_in_dim3A_114 = vector.broadcast %jit3A_111 : i32 to vector<256x8xi32>
    %select_n3A_115 = arith.select %eq3A_110, %broadcast_in_dim3A_113, %broadcast_in_dim3A_114 : vector<256x8xi1>, vector<256x8xi32>
    %broadcast_in_dim3A_116 = vector.shape_cast %select_n3A_76 : vector<256x1xi32> to vector<256x1xi32>
    %broadcast_in_dim3A_117 = vector.broadcast %broadcast_in_dim3A_116 : vector<256x1xi32> to vector<256x8xi32>
    %select_n3A_118 = arith.select %eq3A_107, %broadcast_in_dim3A_117, %select_n3A_115 : vector<256x8xi1>, vector<256x8xi32>
    %swap3A = arith.index_cast %mul3A_104 : i32 to index
    %swap3A_119 = arith.constant 0 : index
    %swap3A_120 = vector.load %arg10[%swap3A, %swap3A_119] : memref<2048x8xi32, #tpu.memory_space<vmem>>, vector<256x8xi32>
    tpu.vector_store %arg10[%swap3A, %swap3A_119], %select_n3A_118 {strides = array<i32>} : memref<2048x8xi32, #tpu.memory_space<vmem>>, vector<256x8xi32>,
    %eq3A_121 = arith.constant 0 : i32
    %eq3A_122 = vector.broadcast %eq3A_121 : i32 to vector<256x8xi32>
    %eq3A_123 = arith.cmpi eq, %iota3A, %eq3A_122 : vector<256x8xi32>
    %eq3A_124 = arith.constant 1 : i32
    %eq3A_125 = vector.broadcast %eq3A_124 : i32 to vector<256x8xi32>
    %eq3A_126 = arith.cmpi eq, %iota3A, %eq3A_125 : vector<256x8xi32>
    %eq3A_127 = arith.constant 2 : i32
    %eq3A_128 = vector.broadcast %eq3A_127 : i32 to vector<256x8xi32>
    %eq3A_129 = arith.cmpi eq, %iota3A, %eq3A_128 : vector<256x8xi32>
    %jit3A_130 = arith.constant 0.000000e+00 : f32
    %broadcast_in_dim3A_131 = vector.shape_cast %broadcast_in_dim3A_102 : vector<256x1xf32> to vector<256x1xf32>
    %broadcast_in_dim3A_132 = vector.broadcast %broadcast_in_dim3A_131 : vector<256x1xf32> to vector<256x8xf32>
    %broadcast_in_dim3A_133 = vector.broadcast %jit3A_130 : f32 to vector<256x8xf32>
    %select_n3A_134 = arith.select %eq3A_129, %broadcast_in_dim3A_132, %broadcast_in_dim3A_133 : vector<256x8xi1>, vector<256x8xf32>
    %broadcast_in_dim3A_135 = vector.shape_cast %mul3A : vector<256x1xf32> to vector<256x1xf32>
    %broadcast_in_dim3A_136 = vector.broadcast %broadcast_in_dim3A_135 : vector<256x1xf32> to vector<256x8xf32>
    %select_n3A_137 = arith.select %eq3A_126, %broadcast_in_dim3A_136, %select_n3A_134 : vector<256x8xi1>, vector<256x8xf32>
    %broadcast_in_dim3A_138 = vector.shape_cast %div3A_35 : vector<256x1xf32> to vector<256x1xf32>
    %broadcast_in_dim3A_139 = vector.broadcast %broadcast_in_dim3A_138 : vector<256x1xf32> to vector<256x8xf32>
    %select_n3A_140 = arith.select %eq3A_123, %broadcast_in_dim3A_139, %select_n3A_137 : vector<256x8xi1>, vector<256x8xf32>
    %swap3A_141 = arith.index_cast %mul3A_104 : i32 to index
    %swap3A_142 = arith.constant 0 : index
    %swap3A_143 = vector.load %arg8[%swap3A_141, %swap3A_142] : memref<2048x8xf32, #tpu.memory_space<vmem>>, vector<256x8xf32>
    tpu.vector_store %arg8[%swap3A_141, %swap3A_142], %select_n3A_140 {strides = array<i32>} : memref<2048x8xf32, #tpu.memory_space<vmem>>, vector<256x8xf32>,
    %swap3A_144 = arith.index_cast %mul3A_104 : i32 to index
    %swap3A_145 = arith.constant 0 : index
    %swap3A_146 = vector.load %arg9[%swap3A_144, %swap3A_145] : memref<2048x8xf32, #tpu.memory_space<vmem>>, vector<256x8xf32>
    tpu.vector_store %arg9[%swap3A_144, %swap3A_145], %convert_element_type3A_39 {strides = array<i32>} : memref<2048x8xf32, #tpu.memory_space<vmem>>, vector<256x8xf32>,
    %add3A_147 = arith.addf %get3A_55, %broadcast_in_dim3A_49 : vector<1x8xf32>
    %swap3A_148 = arith.constant 0 : index
    %swap3A_149 = arith.constant 0 : index
    %swap3A_150 = vector.load %arg6[%swap3A_148, %swap3A_149] : memref<1x8xf32, #tpu.memory_space<vmem>>, vector<1x8xf32>
    tpu.vector_store %arg6[%swap3A_148, %swap3A_149], %add3A_147 {strides = array<i32>} : memref<1x8xf32, #tpu.memory_space<vmem>>, vector<1x8xf32>,
    %add3A_151 = arith.addf %get3A_58, %broadcast_in_dim3A_52 : vector<1x8xf32>
    %swap3A_152 = arith.constant 0 : index
    %swap3A_153 = arith.constant 0 : index
    %swap3A_154 = vector.load %arg7[%swap3A_152, %swap3A_153] : memref<1x8xf32, #tpu.memory_space<vmem>>, vector<1x8xf32>
    tpu.vector_store %arg7[%swap3A_152, %swap3A_153], %add3A_151 {strides = array<i32>} : memref<1x8xf32, #tpu.memory_space<vmem>>, vector<1x8xf32>,
    %eq3A_155 = arith.constant 7 : i32
    %eq3A_156 = arith.cmpi eq, %arg0, %eq3A_155 : i32
    %convert_element_type3A_157 = arith.extui %eq3A_156 : i1 to i32
    %cond3A_158 = arith.constant 0 : i32
    %cond3A_159 = arith.cmpi ne, %convert_element_type3A_157, %cond3A_158 : i32
    scf.if %cond3A_159 {
      %get3A_160 = arith.constant 0 : index
      %get3A_161 = arith.constant 0 : index
      %get3A_162 = vector.load %arg6[%get3A_160, %get3A_161] : memref<1x8xf32, #tpu.memory_space<vmem>>, vector<1x8xf32>
      %get3A_163 = arith.constant 0 : index
      %get3A_164 = arith.constant 0 : index
      %get3A_165 = vector.load %arg7[%get3A_163, %get3A_164] : memref<1x8xf32, #tpu.memory_space<vmem>>, vector<1x8xf32>
      %add3A_166 = arith.addf %get3A_162, %get3A_165 : vector<1x8xf32>
      %iota3A_167 = tpu.iota {dimensions = array<i32: 1>} : vector<2048x8xi32>
      %get3A_168 = arith.constant 0 : index
      %get3A_169 = arith.constant 0 : index
      %get3A_170 = vector.load %arg9[%get3A_168, %get3A_169] : memref<2048x8xf32, #tpu.memory_space<vmem>>, vector<2048x8xf32>
      %get3A_171 = arith.constant 0 : index
      %get3A_172 = arith.constant 0 : index
      %get3A_173 = vector.load %arg8[%get3A_171, %get3A_172] : memref<2048x8xf32, #tpu.memory_space<vmem>>, vector<2048x8xf32>
      %eq3A_174 = arith.constant 2 : i32
      %eq3A_175 = vector.broadcast %eq3A_174 : i32 to vector<2048x8xi32>
      %eq3A_176 = arith.cmpi eq, %iota3A_167, %eq3A_175 : vector<2048x8xi32>
      %jit3A_177 = arith.constant 0.000000e+00 : f32
      %broadcast_in_dim3A_178 = vector.broadcast %jit3A_177 : f32 to vector<2048x8xf32>
      %select_n3A_179 = arith.select %eq3A_176, %get3A_173, %broadcast_in_dim3A_178 : vector<2048x8xi1>, vector<2048x8xf32>
      %reduce_sum3A_180 = arith.constant dense<0.000000e+00> : vector<2048xf32>
      %reduce_sum3A_181 = vector.multi_reduction <add>, %select_n3A_179, %reduce_sum3A_180 [1] : vector<2048x8xf32> to vector<2048xf32>
      %broadcast_in_dim3A_182 = vector.shape_cast %reduce_sum3A_181 : vector<2048xf32> to vector<2048x1xf32>
      %mul3A_183 = vector.broadcast %get3A_162 : vector<1x8xf32> to vector<2048x8xf32>
      %mul3A_184 = arith.mulf %get3A_170, %mul3A_183 : vector<2048x8xf32>
      %reduce_sum3A_185 = arith.constant dense<0.000000e+00> : vector<2048xf32>
      %reduce_sum3A_186 = vector.multi_reduction <add>, %mul3A_184, %reduce_sum3A_185 [1] : vector<2048x8xf32> to vector<2048xf32>
      %broadcast_in_dim3A_187 = vector.shape_cast %reduce_sum3A_186 : vector<2048xf32> to vector<2048x1xf32>
      %add3A_188 = arith.addf %broadcast_in_dim3A_182, %broadcast_in_dim3A_187 : vector<2048x1xf32>
      %convert_element_type3A_189 = arith.fptosi %add3A_188 : vector<2048x1xf32> to vector<2048x1xi32>
      %convert_element_type3A_190 = arith.sitofp %iota3A_167 : vector<2048x8xi32> to vector<2048x8xf32>
      %mul3A_191 = arith.mulf %get3A_170, %convert_element_type3A_190 : vector<2048x8xf32>
      %reduce_sum3A_192 = arith.constant dense<0.000000e+00> : vector<2048xf32>
      %reduce_sum3A_193 = vector.multi_reduction <add>, %mul3A_191, %reduce_sum3A_192 [1] : vector<2048x8xf32> to vector<2048xf32>
      %broadcast_in_dim3A_194 = vector.shape_cast %reduce_sum3A_193 : vector<2048xf32> to vector<2048x1xf32>
      %convert_element_type3A_195 = arith.fptosi %broadcast_in_dim3A_194 : vector<2048x1xf32> to vector<2048x1xi32>
      %lt3A_196 = arith.constant 640 : i32
      %lt3A_197 = vector.broadcast %lt3A_196 : i32 to vector<2048x1xi32>
      %lt3A_198 = arith.cmpi slt, %convert_element_type3A_189, %lt3A_197 : vector<2048x1xi32>
      %mul3A_199 = arith.constant 640 : i32
      %mul3A_200 = vector.broadcast %mul3A_199 : i32 to vector<2048x1xi32>
      %mul3A_201 = arith.muli %convert_element_type3A_195, %mul3A_200 : vector<2048x1xi32>
      %add3A_202 = arith.addi %mul3A_201, %convert_element_type3A_189 : vector<2048x1xi32>
      %jit3A_203 = arith.constant -1 : i32
      %broadcast_in_dim3A_204 = vector.broadcast %jit3A_203 : i32 to vector<2048x1xi32>
      %select_n3A_205 = arith.select %lt3A_198, %add3A_202, %broadcast_in_dim3A_204 : vector<2048x1xi1>, vector<2048x1xi32>
      %lt3A_206 = arith.constant 640 : i32
      %lt3A_207 = vector.broadcast %lt3A_206 : i32 to vector<2048x1xi32>
      %lt3A_208 = arith.cmpi slt, %convert_element_type3A_189, %lt3A_207 : vector<2048x1xi32>
      %shift_right_arithmetic3A_209 = arith.constant 7 : i32
      %shift_right_arithmetic3A_210 = vector.broadcast %shift_right_arithmetic3A_209 : i32 to vector<2048x1xi32>
      %shift_right_arithmetic3A_211 = arith.shrsi %convert_element_type3A_189, %shift_right_arithmetic3A_210 : vector<2048x1xi32>
      %mul3A_212 = arith.constant 1024 : i32
      %mul3A_213 = vector.broadcast %mul3A_212 : i32 to vector<2048x1xi32>
      %mul3A_214 = arith.muli %shift_right_arithmetic3A_211, %mul3A_213 : vector<2048x1xi32>
      %mul3A_215 = arith.constant 128 : i32
      %mul3A_216 = vector.broadcast %mul3A_215 : i32 to vector<2048x1xi32>
      %mul3A_217 = arith.muli %convert_element_type3A_195, %mul3A_216 : vector<2048x1xi32>
      %add3A_218 = arith.addi %mul3A_214, %mul3A_217 : vector<2048x1xi32>
      %and3A_219 = arith.constant 127 : i32
      %and3A_220 = vector.broadcast %and3A_219 : i32 to vector<2048x1xi32>
      %and3A_221 = arith.andi %convert_element_type3A_189, %and3A_220 : vector<2048x1xi32>
      %add3A_222 = arith.addi %add3A_218, %and3A_221 : vector<2048x1xi32>
      %jit3A_223 = arith.constant -1 : i32
      %broadcast_in_dim3A_224 = vector.broadcast %jit3A_223 : i32 to vector<2048x1xi32>
      %select_n3A_225 = arith.select %lt3A_208, %add3A_222, %broadcast_in_dim3A_224 : vector<2048x1xi1>, vector<2048x1xi32>
      %eq3A_226 = arith.constant 1 : i32
      %eq3A_227 = vector.broadcast %eq3A_226 : i32 to vector<2048x8xi32>
      %eq3A_228 = arith.cmpi eq, %iota3A_167, %eq3A_227 : vector<2048x8xi32>
      %eq3A_229 = arith.constant 3 : i32
      %eq3A_230 = vector.broadcast %eq3A_229 : i32 to vector<2048x8xi32>
      %eq3A_231 = arith.cmpi eq, %iota3A_167, %eq3A_230 : vector<2048x8xi32>
      %get3A_232 = arith.constant 0 : index
      %get3A_233 = arith.constant 0 : index
      %get3A_234 = vector.load %arg10[%get3A_232, %get3A_233] : memref<2048x8xi32, #tpu.memory_space<vmem>>, vector<2048x8xi32>
      %broadcast_in_dim3A_235 = vector.shape_cast %select_n3A_225 : vector<2048x1xi32> to vector<2048x1xi32>
      %broadcast_in_dim3A_236 = vector.broadcast %broadcast_in_dim3A_235 : vector<2048x1xi32> to vector<2048x8xi32>
      %select_n3A_237 = arith.select %eq3A_231, %broadcast_in_dim3A_236, %get3A_234 : vector<2048x8xi1>, vector<2048x8xi32>
      %broadcast_in_dim3A_238 = vector.shape_cast %select_n3A_205 : vector<2048x1xi32> to vector<2048x1xi32>
      %broadcast_in_dim3A_239 = vector.broadcast %broadcast_in_dim3A_238 : vector<2048x1xi32> to vector<2048x8xi32>
      %select_n3A_240 = arith.select %eq3A_228, %broadcast_in_dim3A_239, %select_n3A_237 : vector<2048x8xi1>, vector<2048x8xi32>
      %swap3A_241 = arith.constant 0 : index
      %swap3A_242 = arith.constant 0 : index
      %swap3A_243 = vector.load %arg3[%swap3A_241, %swap3A_242] : memref<2048x8xi32, #tpu.memory_space<vmem>>, vector<2048x8xi32>
      tpu.vector_store %arg3[%swap3A_241, %swap3A_242], %select_n3A_240 {strides = array<i32>} : memref<2048x8xi32, #tpu.memory_space<vmem>>, vector<2048x8xi32>,
      %eq3A_244 = arith.constant 2 : i32
      %eq3A_245 = vector.broadcast %eq3A_244 : i32 to vector<2048x8xi32>
      %eq3A_246 = arith.cmpi eq, %iota3A_167, %eq3A_245 : vector<2048x8xi32>
      %jit3A_247 = arith.constant 0.000000e+00 : f32
      %broadcast_in_dim3A_248 = vector.broadcast %jit3A_247 : f32 to vector<2048x8xf32>
      %select_n3A_249 = arith.select %eq3A_246, %broadcast_in_dim3A_248, %get3A_173 : vector<2048x8xi1>, vector<2048x8xf32>
      %swap3A_250 = arith.constant 0 : index
      %swap3A_251 = arith.constant 0 : index
      %swap3A_252 = vector.load %arg4[%swap3A_250, %swap3A_251] : memref<2048x8xf32, #tpu.memory_space<vmem>>, vector<2048x8xf32>
      tpu.vector_store %arg4[%swap3A_250, %swap3A_251], %select_n3A_249 {strides = array<i32>} : memref<2048x8xf32, #tpu.memory_space<vmem>>, vector<2048x8xf32>,
      %min3A = arith.constant 6.400000e+02 : f32
      %min3A_253 = vector.broadcast %min3A : f32 to vector<1x8xf32>
      %min3A_254 = arith.minimumf %add3A_166, %min3A_253 : vector<1x8xf32>
      %convert_element_type3A_255 = arith.fptosi %min3A_254 : vector<1x8xf32> to vector<1x8xi32>
      %swap3A_256 = arith.constant 0 : index
      %swap3A_257 = arith.constant 0 : index
      %swap3A_258 = vector.load %arg5[%swap3A_256, %swap3A_257] : memref<1x8xi32, #tpu.memory_space<vmem>>, vector<1x8xi32>
      tpu.vector_store %arg5[%swap3A_256, %swap3A_257], %convert_element_type3A_255 {strides = array<i32>} : memref<1x8xi32, #tpu.memory_space<vmem>>, vector<1x8xi32>,
    } else {
    }
    return
  }
  func.func @transform_0(%arg0: i32) -> (i32, i32) {
    %c0_i32 = arith.constant 0 : i32
    %c0_i32_0 = arith.constant 0 : i32
    return %arg0, %c0_i32 : i32, i32
  }
  func.func @transform_1(%arg0: i32) -> (i32, i32) {
    %c0_i32 = arith.constant 0 : i32
    %c0_i32_0 = arith.constant 0 : i32
    %c0_i32_1 = arith.constant 0 : i32
    return %c0_i32, %c0_i32_0 : i32, i32
  }
  func.func @transform_2(%arg0: i32) -> (i32, i32) {
    %c0_i32 = arith.constant 0 : i32
    %c0_i32_0 = arith.constant 0 : i32
    %c0_i32_1 = arith.constant 0 : i32
    return %c0_i32, %c0_i32_0 : i32, i32
  }
  func.func @transform_3(%arg0: i32) -> (i32, i32) {
    %c0_i32 = arith.constant 0 : i32
    %c0_i32_0 = arith.constant 0 : i32
    %c0_i32_1 = arith.constant 0 : i32
    return %c0_i32, %c0_i32_0 : i32, i32
  }
  func.func @transform_4(%arg0: i32) -> (i32, i32) {
    %c0_i32 = arith.constant 0 : i32
    %c0_i32_0 = arith.constant 0 : i32
    %c0_i32_1 = arith.constant 0 : i32
    return %c0_i32, %c0_i32_0 : i32, i32
  }
}

</mosaic_0001>

<sc_bundles>
// kernel: kernel.5.cloned.1.call-start
scs
__scs_entry_jumppad:
0x0: {  	(pc) =	sbr.rel $0x88, $3  }
0x1: {  	(tag) =	ssettag $0x0;
	lr =	simm.s32 $0x1  }
0x2: {  	[smem:$0x3F9F] =	sst lr;
	_ =	strace $0xD0000000  }
0x3: {  	_ = 	snop  }
0x4: {  	_ = 	snop  }
0x5: {  	_ = 	snop  }
0x6: {  	_ = 	snop  }
0x7: {  	_ = 	snop  }
__scs_overlays_trampoline_lowered:
0x8: {  	[smem:$0x3FAE] =	sst s0  }
0x9: {  	[smem:$0x3FAF] =	sst s1  }
0xa: {  	[smem:$0x3FB0] =	sst s2  }
0xb: {  	[smem:$0x3FB1] =	sst s3  }
0xc: {  	[smem:$0x3FB2] =	sst s4  }
0xd: {  	[smem:$0x3FB3] =	sst s5  }
0xe: {  	[smem:$0x3FB4] =	sst s6  }
0xf: {  	[smem:$0x3FB5] =	sst s7  }
0x10: {  	[smem:$0x3FB6] =	sst s8  }
0x11: {  	[smem:$0x3FB7] =	sst s9;
	s0 =	simm.s32 @!p0 $0x0  }
0x12: {  	s1 =	sld [smem:$0x3F9D];
	s0 =	simm.s32 @p0 $0x1  }
0x13: {  	[smem:$0x3FB8] =	sst s0;
	s0 =	simm.s32 @!p1 $0x0  }
0x14: {  	s2 =	sld [smem:$0x3F9C];
	s0 =	simm.s32 @p1 $0x1  }
0x15: {  	[smem:$0x3FB9] =	sst s0;
	s0 =	simm.s32 @!p2 $0x0  }
0x16: {  	s3 =	sld [smem:$0x3FDB];
	s0 =	simm.s32 @p2 $0x1  }
0x17: {  	s4 =	simm.s32 $0x1BF5;
	[smem:$0x3FBB] =	sst s0  }
0x18: {  	s0 =	sld [smem:$0x3F9E];
	_ =	swait.ge [sflag:s4], $0x0  }
0x19: {  	s7 =	sld [smem:$0x3F9F]  }
0x1a: {  	s8 =	sadd.s32 $0xFFFFE003, lr  }
0x1b: {  	s9 =	sadd.s32 $0xFFFFFEF7, lr;
	s5 =	simm.s32 $0xFFFFFFFF;
	p2 =	slt.u32 s8, $0xFFFFF086  }
0x1c: {  	p1 =	slt.u32 s9, $0xF7A;
	s5 =	simm.s32 @!p2 $0x0  }
0x1d: {  	s5 =	simm.s32 @p1 $0x1;
	p0 =	seq.s32 s7, s2  }
0x1e: {  	s7 =	smul.u32 @!p0 $0xF7A, s2;
	p2 =	seq.s32 @!p0 s5, $0x0  }
0x1f: {  	s9 =	smul.u32 $0xF7A, s1;
	s8 =	simm.s32 @!p0 $0x1BF5;
	p2 =	por !p2, p0  }
0x20: {  	[sflag:s8] =	ssyncset.s32 @!p0 $0xFFFFF086;
	s6 =	sadd.s32 @!p0 s3, s7;
	s7 =	simm.s32 @!p0 $0x108  }
0x21: {  	s3 =	sadd.s32 s3, s9;
	s6 =	sadd.s32 @!p0 $0x88, s6;
	s7 =	simm.s32 @p2 $0x1082  }
0x22: {  	[simem:s7], [sflag:s8] =	dma.local @!p0 [hbm:s6], $0xF7A  }
0x23: {  	s9 =	sor.u32 $0xD0000000, s2;
	s6 =	simm.s32 $0x108;
	_ =	swait.ge @!p0 [sflag:s8], $0x0  }
0x24: {  	s3 =	sadd.s32 $0x88, s3;
	s6 =	simm.s32 @!p1 $0x1082;
	[sflag:s4] =	ssyncset.s32 $0xFFFFF086  }
0x25: {  	[simem:s6], [sflag:s4] =	dma.local [hbm:s3], $0xF7A  }
0x26: {  	[smem:$0x3F9F] =	sst s1;
	(tag) =	ssettag s2;
	_ =	strace s9  }
0x27: {  	s1 =	sld [smem:$0x3FAF]  }
0x28: {  	s2 =	sld [smem:$0x3FB0]  }
0x29: {  	s4 =	sld [smem:$0x3FB2]  }
0x2a: {  	p0 =	seq.s32 s5, $0x0;
	s5 =	sld [smem:$0x3FB3]  }
0x2b: {  	s6 =	sld [smem:$0x3FB4]  }
0x2c: {  	s7 =	sld [smem:$0x3FB5]  }
0x2d: {  	s3 =	simm.s32 $0x108;
	s8 =	sld [smem:$0x3FB6]  }
0x2e: {  	s3 =	simm.s32 @!p0 $0x1082;
	s9 =	sld [smem:$0x3FB7]  }
0x2f: {  	lr =	sadd.s32 s0, s3;
	s0 =	sld [smem:$0x3FAE]  }
0x30: {  	s3 =	sld [smem:$0x3FB1]  }
0x31: {  	[smem:$0x3FBA] =	sst s10  }
0x32: {  	s10 =	sld [smem:$0x3FB8];
	_ =	sdelay $0x3  }
0x33: {  	p0 =	seq.s32 s10, $0x1;
	s10 =	sld [smem:$0x3FBA];
	_ =	sdelay $0x3  }
0x34: {  	[smem:$0x3FBA] =	sst s10  }
0x35: {  	s10 =	sld [smem:$0x3FB9];
	_ =	sdelay $0x3  }
0x36: {  	p1 =	seq.s32 s10, $0x1;
	s10 =	sld [smem:$0x3FBA];
	_ =	sdelay $0x3  }
0x37: {  	[smem:$0x3FBA] =	sst s10  }
0x38: {  	s10 =	sld [smem:$0x3FBB]  }
0x39: {  	_ = 	snop;
	(pc) =	sbr.ind lr, $3  }
0x3a: {  	_ = 	snop  }
0x3b: {  	_ = 	snop  }
0x3c: {  	p2 =	seq.s32 s10, $0x1;
	s10 =	sld [smem:$0x3FBA]  }
0x3d: {  	_ =	shalt  }
0x3e: {  	_ =	shalt  }
0x3f: {  	_ =	shalt  }
0x40: {  	_ =	shalt  }
0x41: {  	_ =	shalt  }
0x42: {  	_ =	shalt  }
0x43: {  	_ =	shalt  }
0x44: {  	_ =	shalt  }
0x45: {  	_ =	shalt  }
0x46: {  	_ =	shalt  }
0x47: {  	_ =	shalt  }
0x48: {  	_ =	shalt  }
0x49: {  	_ =	shalt  }
0x4a: {  	_ =	shalt  }
0x4b: {  	_ =	shalt  }
0x4c: {  	_ =	shalt  }
0x4d: {  	_ =	shalt  }
0x4e: {  	_ =	shalt  }
0x4f: {  	_ =	shalt  }
0x50: {  	_ =	shalt  }
0x51: {  	_ =	shalt  }
0x52: {  	_ =	shalt  }
0x53: {  	_ =	shalt  }
0x54: {  	_ =	shalt  }
0x55: {  	_ =	shalt  }
0x56: {  	_ =	shalt  }
0x57: {  	_ =	shalt  }
0x58: {  	_ =	shalt  }
0x59: {  	_ =	shalt  }
0x5a: {  	_ =	shalt  }
0x5b: {  	_ =	shalt  }
0x5c: {  	_ =	shalt  }
0x5d: {  	_ =	shalt  }
0x5e: {  	_ =	shalt  }
0x5f: {  	_ =	shalt  }
0x60: {  	_ =	shalt  }
0x61: {  	_ =	shalt  }
0x62: {  	_ =	shalt  }
0x63: {  	_ =	shalt  }
0x64: {  	_ =	shalt  }
0x65: {  	_ =	shalt  }
0x66: {  	_ =	shalt  }
0x67: {  	_ =	shalt  }
0x68: {  	_ =	shalt  }
0x69: {  	_ =	shalt  }
0x6a: {  	_ =	shalt  }
0x6b: {  	_ =	shalt  }
0x6c: {  	_ =	shalt  }
0x6d: {  	_ =	shalt  }
0x6e: {  	_ =	shalt  }
0x6f: {  	_ =	shalt  }
0x70: {  	_ =	shalt  }
0x71: {  	_ =	shalt  }
0x72: {  	_ =	shalt  }
0x73: {  	_ =	shalt  }
0x74: {  	_ =	shalt  }
0x75: {  	_ =	shalt  }
0x76: {  	_ =	shalt  }
0x77: {  	_ =	shalt  }
0x78: {  	_ =	shalt  }
0x79: {  	_ =	shalt  }
0x7a: {  	_ =	shalt  }
0x7b: {  	_ =	shalt  }
0x7c: {  	_ =	shalt  }
0x7d: {  	_ =	shalt  }
0x7e: {  	_ =	shalt  }
0x7f: {  	_ =	shalt  }
0x80: {  	_ =	shalt  }
0x81: {  	_ =	shalt  }
0x82: {  	_ =	shalt  }
0x83: {  	_ =	shalt  }
0x84: {  	_ =	shalt  }
0x85: {  	_ =	shalt  }
0x86: {  	_ =	shalt  }
0x87: {  	_ =	shalt  }
.Lfunc_end0:
.L_simem_size_0:
called_computation_lowered:
.L_overlay_start_0:
0x88: {  	s2 =	sld [smem:$0x3FD9]  }
0x89: {  	s3 =	sld [smem:$0x3FFE];
	_ =	sdelay $0x1  }
0x8a: {  	s1 =	srdreg.scid  }
0x8b: {  	s0 =	sand.u32 $0x1, s1  }
0x8c: {  	s14 =	sshll.u32 s0, $0xA;
	s2 =	sadd.s32 s3, s2  }
0x8d: {  	s2 =	sadd.s32 s2, s14  }
0x8e: {  	[smem:$0x3FC6] =	sst s2  }
0x8f: {  	_ = 	snop  }
0x90: {  	s2 =	sld [smem:$0x3FD0];
	_ =	sdelay $0x2  }
0x91: {  	s15 =	simm.s32 $0xA;
	s4 =	simm.s32 $0x10  }
0x92: {  	[smem:s4], [sflag:s15] =	dma.local [hbm:s2], $0x1  }
0x93: {  	_ =	swait.eq [sflag:s15], $0x1  }
0x94: {  	[sflag:s15] =	ssyncset.done $0x0  }
0x95: {  	[sflag:s15] =	ssyncadd.s32 $0xFFFFFFFF  }
0x96: {  	s16 =	sld [smem:$0x11];
	(tm) =	ssettm $0x1  }
0x97: {  	s17 =	sld [smem:$0x3FFB];
	_ =	sdelay $0x3  }
0x98: {  	_ =	strace s17  }
0x99: {  	s3 =	sld [smem:$0x3FFC];
	_ =	sdelay $0x3  }
0x9a: {  	_ =	strace s3  }
0x9b: {  	s3 =	sld [smem:$0x3FFD];
	_ =	sdelay $0x3  }
0x9c: {  	_ =	strace s3  }
0x9d: {  	_ =	strace $0x8FFFFFFF  }
0x9e: {  	s18 =	sld [smem:$0x3FDB];
	_ =	sdelay $0x1  }
0x9f: {  	s19 =	simm.s32 $_scs_section_size  }
0xa0: {  	s5 =	simm.s32 $_size__tile_overlayer_lowered;
	s6 =	simm.s32 $_tile_overlayer_lowered  }
0xa1: {  	s22 =	simm.s32 $0x1BFF;
	s21 =	sshll.u32 s6, $0x1;
	s3 =	sadd.s32 s19, s18  }
0xa2: {  	s7 =	simm.s32 $0x0;
	s20 =	sshll.u32 s5, $0x1;
	s5 =	sadd.s32 s21, s3  }
0xa3: {  	[timem:s7], [sflag:s22] =	dma.local [hbm:s5], s20  }
0xa4: {  	_ =	swait.ge [sflag:s22], s20  }
0xa5: {  	s4 =	ssub.s32 $0x0, s20;
	[sflag:s22] =	ssyncset.done $0x0  }
0xa6: {  	[sflag:s22] =	ssyncadd.s32 s4;
	_ =	sdelay $0x1  }
0xa7: {  	s23 =	simm.s32 $0x1B8B  }
0xa8: {  	_ =	swait.ge [sflag:s23], $0x1  }
0xa9: {  	[sflag:s23] =	ssyncset.done $0x0  }
0xaa: {  	s25 =	simm.s32 $0x1B8E;
	s24 =	sld [smem:$0x3FFE];
	[sflag:s23] =	ssyncadd.s32 $0xFFFFFFFF  }
0xab: {  	s26 =	simm.s32 $execute0_lowered;
	[smem:$0x3FD2] =	sst s25  }
0xac: {  	s5 =	sshll.u32 s26, $0x1;
	_ =	strace $0x80000046;
	[dreg:$0x1] =	wrdreg $0xFFFFFFFF  }
0xad: {  	s28 =	simm.s32 $_size_execute0_lowered;
	s3 =	sadd.s32 s3, s5;
	[dreg:$0x0] =	wrdreg $0x0  }
0xae: {  	s5 =	sshll.u32 s28, $0x1;
	[dreg:$0x2] =	wrdreg s3  }
0xaf: {  	[dreg:$0x3] =	wrdreg s5  }
0xb0: {  	[dreg:$0x4] =	wrdreg $0xC0  }
0xb1: {  	_ =	task [dreg:s7], $0x5FFFF  }
0xb2: {  	[dreg:$0x1] =	wrdreg $0xFFFFFFFF  }
0xb3: {  	[dreg:$0x0] =	wrdreg $0x60  }
0xb4: {  	[dreg:$0x2] =	wrdreg s24  }
0xb5: {  	[dreg:$0x3] =	wrdreg s16  }
0xb6: {  	[dreg:$0x4] =	wrdreg $0x9  }
0xb7: {  	_ =	task.clear_ibuf [dreg:s7], $0x5FFFF;
	_ =	strace $0x90000046  }
0xb8: {  	s29 =	simm.s32 $0x9;
	_ =	strace $0x80000048  }
0xb9: {  	_ =	swait.ge [sflag:s29], $0x1  }
0xba: {  	[sflag:s29] =	ssyncadd.s32 $0xFFFFFFFF  }
0xbb: {  	_ =	strace $0x90000048  }
0xbc: {  	_ =	sfence  }
0xbd: {  	s30 =	sld [smem:$0x0];
	_ =	sdelay $0x2  }
0xbe: {  	s31 =	sshll.u32 s1, $0xD;
	s1 =	sshrl.u32 s1, $0x2  }
0xbf: {  	s3 =	sand.u32 $0x4000, s31;
	s1 =	sadd.s32 s1, s30  }
0xc0: {  	s0 =	sor.u32 s3, s0;
	s1 =	sshll.u32 s1, $0x11  }
0xc1: {  	s0 =	sor.u32 s1, s0  }
0xc2: {  	s0 =	sadd.s32 $0x8F2B, s0  }
0xc3: {  	[sflag:s0] =	ssyncadd.remote.s32 $0x1  }
0xc4: {  	_ =	sfence.sel $0xFFFF  }
0xc5: {  	[dreg:$0x0] =	wrdreg $0xFFFFFFFF;
	(pc) =	sbr.abs _section_cstart, $3  }
0xc6: {  	[dreg:$0x1] =	wrdreg $0xFFFFFFFF  }
0xc7: {  	_ =	task.clear_ibuf [dreg:s7], $0x2FFFF;
	_ =	strace $0x9FFFFFFF  }
0xc8: {  	(tm) =	ssettm $0x7FFFFFFF  }
0xc9: {  	_ =	shalt  }
tec
execute0_lowered:
.L_overlay_start_1:
0x0: {  	(tag) =	ssettag $0x1  }
0x1: {  	s3 =	rddreg [dreg:$0x0]  }
0x2: {  	s7 =	rddreg [dreg:$0x1]  }
0x3: {  	s2 =	srdreg.scid;
	s1 =	stileid.u32  }
0x4: {  	s0 =	rddreg [dreg:$0x2];
	s12 =	simm.s32 $0x1;
	s13 =	simm.s32 $0x80  }
0x5: {  	s14 =	simm.s32 $0x100;
	s15 =	simm.s32 $0x180;
	s16 =	simm.s32 $0x200  }
0x6: {  	s17 =	simm.s32 $0x0;
	s4 =	sand.u32 $0x1, s2;
	s5 =	sshll.u32 s1, $0x1  }
0x7: {  	s2 =	simm.s32 $0x0;
	s6 =	ssub.s32 $0x2, s4;
	s4 =	sor.u32 s4, s5  }
0x8: {  	[smem:$0x7FF] =	sst s2;
	s29 =	sshrl.u32 s6, $0x1;
	s8 =	smul.u32 $0x50000, s4  }
0x9: {  	_ =	strace $0x80000047;
	s30 =	sshll.u32 s4, $0x3;
	s9 =	smul.u32 $0xA000, s4  }
0xa: {  	s11 =	ssub.s32 s6, s29;
	s3 =	sadd.s32 s3, s30;
	s31 =	sshrl.u32 s8, $0x3  }
0xb: {  	s4 =	sadd.s32 $0x200, s3;
	s5 =	sadd.s32 $0x600, s3;
	s6 =	sadd.s32 $0x400, s3  }
0xc: {  	v1 =	vlaneseq.u32;
	s11 =	smax.u32 s11, $0x1;
	s10 =	sadd.s32 s7, s31;
	s7 =	sadd.s32 s7, s9  }
0xd: {  	v0 =	vimm.f32 $0.0e+00;
	v1 =	vmul.u32 $0x1400, v1;
	s8 =	sadd.s32 $0x2800, s10;
	s9 =	sadd.s32 $0x5000, s10;
	s10 =	sadd.s32 $0x7800, s10  }
.LBB2_1:
0xe: {  	[tilespmem:s2], [sflag:$0x1] =	stream.linear.gather [hbm4b:s4+s2], $0x40, $0x38;
	[tilespmem:$0x14200] =	vst v63  }
0xf: {  	_ =	swait.ge [sflag:s12], $0x40  }
0x10: {  	[sflag:s12] =	ssyncset.done $0x0  }
0x11: {  	[sflag:s12] =	ssyncadd.s32 $0xFFFFFFC0  }
0x12: {  	[tilespmem:s13], [sflag:$0x1] =	stream.linear.gather [hbm4b:s3+s2], $0x40, $0x38;
	[tilespmem:$0x14200] =	vst v63  }
0x13: {  	_ =	swait.ge [sflag:s12], $0x40  }
0x14: {  	[sflag:s12] =	ssyncset.done $0x0  }
0x15: {  	[sflag:s12] =	ssyncadd.s32 $0xFFFFFFC0  }
0x16: {  	[tilespmem:s14], [sflag:$0x1] =	stream.linear.gather [hbm4b:s5+s2], $0x40, $0x38;
	[tilespmem:$0x14200] =	vst v63  }
0x17: {  	_ =	swait.ge [sflag:s12], $0x40  }
0x18: {  	[sflag:s12] =	ssyncset.done $0x0  }
0x19: {  	[sflag:s12] =	ssyncadd.s32 $0xFFFFFFC0  }
0x1a: {  	[tilespmem:s15], [sflag:$0x1] =	stream.linear.gather [hbm4b:s6+s2], $0x40, $0x38;
	[tilespmem:$0x14200] =	vst v63  }
0x1b: {  	_ =	swait.ge [sflag:s12], $0x40  }
0x1c: {  	[sflag:s12] =	ssyncset.done $0x0  }
0x1d: {  	s18 =	simm.s32 $0x0;
	s19 =	simm.s32 $0x200;
	[sflag:s12] =	ssyncadd.s32 $0xFFFFFFC0  }
.LBB2_2:
0x1e: {  	p0 =	sne.s32 s19, $0x4FE00;
	[tilespmem:s18+$0x270] =	vst v0  }
0x1f: {  	[tilespmem:s18+$0x200] =	vst v0  }
0x20: {  	[tilespmem:s18+$0x210] =	vst v0  }
.Ltmp0:
0x21: {  	[tilespmem:s18+$0x220] =	vst v0;
	(pc) =	sbr.rel @p0 .LBB2_2-.Ltmp0, $4  }
0x22: {  	[tilespmem:s18+$0x230] =	vst v0  }
0x23: {  	[tilespmem:s18+$0x240] =	vst v0  }
0x24: {  	[tilespmem:s18+$0x250] =	vst v0  }
0x25: {  	[tilespmem:s18+$0x260] =	vst v0;
	s18 =	sshra.s32 s19, $0x2;
	s19 =	sadd.s32 $0x200, s19  }
0x26: {  	[tilespmem:s18+$0x270] =	vst v0  }
0x27: {  	[tilespmem:s18+$0x200] =	vst v0  }
0x28: {  	[tilespmem:s18+$0x210] =	vst v0  }
0x29: {  	[tilespmem:s18+$0x220] =	vst v0  }
0x2a: {  	[tilespmem:s18+$0x230] =	vst v0  }
0x2b: {  	[tilespmem:s18+$0x240] =	vst v0  }
0x2c: {  	[tilespmem:s18+$0x250] =	vst v0  }
0x2d: {  	[tilespmem:s18+$0x260] =	vst v0  }
0x2e: {  	v2 =	vld [tilespmem:$0x0]  }
0x2f: {  	v3 =	vld [tilespmem:$0x80];
	_ =	sdelay $0x3  }
0x30: {  	vm0 =	vgt.s32 v2, $0xFFFFFFFF  }
0x31: {  	v4 =	vld [tilespmem:$0x100];
	v2 =	vadd.s32 v1, v2;
	vm1 =	vgt.s32 v3, $0xFFFFFFFF  }
0x32: {  	v5 =	vld [tilespmem:$0x180];
	v3 =	vadd.s32 v1, v3;
	_ =	sdelay $0x3  }
0x33: {  	[tilespmem:v2+s16+$0x0] =	vst.idx.msk vm0, v4  }
0x34: {  	[tilespmem:v3+s16+$0x0] =	vst.idx.msk vm1, v5  }
0x35: {  	[hbm4b:s7+s2] =	stream.linear.scatter [tilespmem:s16], [sflag:$0x1], $0x14000, $0x38;
	[tilespmem:$0x14200] =	vst v63  }
0x36: {  	_ =	swait.ge [sflag:s12], $0x14000  }
0x37: {  	[sflag:s12] =	ssyncset.done $0x0  }
0x38: {  	[sflag:s12] =	ssyncadd.s32 $0xFFFEC000  }
0x39: {  	v2 =	vld [tilespmem:$0x0]  }
0x3a: {  	v3 =	vld [tilespmem:$0x80];
	_ =	sdelay $0x3  }
0x3b: {  	vm4 =	vgt.s32 v2, $0xFFFFFFFF  }
0x3c: {  	v2 =	vadd.s32 v1, v2;
	vm5 =	vgt.s32 v3, $0xFFFFFFFF  }
0x3d: {  	v3 =	vadd.s32 v1, v3;
	_ =	sdelay $0x3  }
0x3e: {  	[tilespmem:v2+s16+$0x0] =	vst.idx.msk vm4, v0  }
0x3f: {  	[tilespmem:v3+s16+$0x0] =	vst.idx.msk vm5, v0  }
0x40: {  	v2 =	vld [tilespmem:$0x10]  }
0x41: {  	v3 =	vld [tilespmem:$0x90];
	_ =	sdelay $0x3  }
0x42: {  	vm6 =	vgt.s32 v2, $0xFFFFFFFF  }
0x43: {  	v58 =	vld [tilespmem:$0x110];
	v2 =	vadd.s32 v1, v2;
	vm7 =	vgt.s32 v3, $0xFFFFFFFF  }
0x44: {  	v59 =	vld [tilespmem:$0x190];
	v3 =	vadd.s32 v1, v3;
	_ =	sdelay $0x3  }
0x45: {  	[tilespmem:v2+s16+$0x0] =	vst.idx.msk vm6, v58  }
0x46: {  	[tilespmem:v3+s16+$0x0] =	vst.idx.msk vm7, v59  }
0x47: {  	[hbm4b:s8+s2] =	stream.linear.scatter [tilespmem:s16], [sflag:$0x1], $0x14000, $0x38;
	[tilespmem:$0x14200] =	vst v63  }
0x48: {  	_ =	swait.ge [sflag:s12], $0x14000  }
0x49: {  	[sflag:s12] =	ssyncset.done $0x0  }
0x4a: {  	[sflag:s12] =	ssyncadd.s32 $0xFFFEC000  }
0x4b: {  	v2 =	vld [tilespmem:$0x10]  }
0x4c: {  	v3 =	vld [tilespmem:$0x90];
	_ =	sdelay $0x3  }
0x4d: {  	vm8 =	vgt.s32 v2, $0xFFFFFFFF  }
0x4e: {  	v2 =	vadd.s32 v1, v2;
	vm9 =	vgt.s32 v3, $0xFFFFFFFF  }
0x4f: {  	v3 =	vadd.s32 v1, v3;
	_ =	sdelay $0x3  }
0x50: {  	[tilespmem:v2+s16+$0x0] =	vst.idx.msk vm8, v0  }
0x51: {  	[tilespmem:v3+s16+$0x0] =	vst.idx.msk vm9, v0  }
0x52: {  	v2 =	vld [tilespmem:$0x20]  }
0x53: {  	v3 =	vld [tilespmem:$0xA0];
	_ =	sdelay $0x3  }
0x54: {  	vm10 =	vgt.s32 v2, $0xFFFFFFFF  }
0x55: {  	v60 =	vld [tilespmem:$0x120];
	v2 =	vadd.s32 v1, v2;
	vm11 =	vgt.s32 v3, $0xFFFFFFFF  }
0x56: {  	v61 =	vld [tilespmem:$0x1A0];
	v3 =	vadd.s32 v1, v3;
	_ =	sdelay $0x3  }
0x57: {  	[tilespmem:v2+s16+$0x0] =	vst.idx.msk vm10, v60  }
0x58: {  	[tilespmem:v3+s16+$0x0] =	vst.idx.msk vm11, v61  }
0x59: {  	[hbm4b:s9+s2] =	stream.linear.scatter [tilespmem:s16], [sflag:$0x1], $0x14000, $0x38;
	[tilespmem:$0x14200] =	vst v63  }
0x5a: {  	_ =	swait.ge [sflag:s12], $0x14000  }
0x5b: {  	[sflag:s12] =	ssyncset.done $0x0  }
0x5c: {  	[sflag:s12] =	ssyncadd.s32 $0xFFFEC000  }
0x5d: {  	v2 =	vld [tilespmem:$0x20]  }
0x5e: {  	v3 =	vld [tilespmem:$0xA0];
	_ =	sdelay $0x3  }
0x5f: {  	vm12 =	vgt.s32 v2, $0xFFFFFFFF  }
0x60: {  	v2 =	vadd.s32 v1, v2;
	vm13 =	vgt.s32 v3, $0xFFFFFFFF  }
0x61: {  	v3 =	vadd.s32 v1, v3;
	_ =	sdelay $0x3  }
0x62: {  	[tilespmem:v2+s16+$0x0] =	vst.idx.msk vm12, v0  }
0x63: {  	[tilespmem:v3+s16+$0x0] =	vst.idx.msk vm13, v0  }
0x64: {  	v2 =	vld [tilespmem:$0x30]  }
0x65: {  	v3 =	vld [tilespmem:$0xB0];
	_ =	sdelay $0x3  }
0x66: {  	vm14 =	vgt.s32 v2, $0xFFFFFFFF  }
0x67: {  	v62 =	vld [tilespmem:$0x130];
	v2 =	vadd.s32 v1, v2;
	vm15 =	vgt.s32 v3, $0xFFFFFFFF  }
0x68: {  	v63 =	vld [tilespmem:$0x1B0];
	v3 =	vadd.s32 v1, v3;
	_ =	sdelay $0x2  }
0x69: {  	s17 =	sadd.s32 $0x1, s17  }
0x6a: {  	p0 =	sne.s32 s17, s11;
	[tilespmem:v2+s16+$0x0] =	vst.idx.msk vm14, v62  }
.Ltmp1:
0x6b: {  	[tilespmem:v3+s16+$0x0] =	vst.idx.msk vm15, v63;
	(pc) =	sbr.rel @p0 .LBB2_1-.Ltmp1, $4  }
0x6c: {  	[hbm4b:s10+s2] =	stream.linear.scatter [tilespmem:s16], [sflag:$0x1], $0x14000, $0x38;
	[tilespmem:$0x14200] =	vst v63  }
0x6d: {  	_ =	swait.ge [sflag:s12], $0x14000  }
0x6e: {  	[sflag:s12] =	ssyncset.done $0x0  }
0x6f: {  	[sflag:s12] =	ssyncadd.s32 $0xFFFEC000  }
0x70: {  	_ =	sfence.sel $0x180000  }
0x71: {  	[bflag:$0x0] =	sbarrier.arrive $0xFFFF  }
0x72: {  	p0 =	sne.s32 s1, $0x0;
	_ =	strace $0x90000047  }
0x73: {  	s0 =	sadd.s32 @!p0 $0x100000, s0;
	[bflag:$0x2] =	sbarrier.arrive $0xFFFF  }
0x74: {  	[sflag:s0] =	ssyncadd.tile.s32 @!p0 $0x1;
	_ =	shalt  }
.Lfunc_end2:
_tile_overlayer_lowered:
.L_overlay_start_2:
0x75: {  	(tag) =	ssettag $0x2  }
0x76: {  	s0 =	rddreg [dreg:$0x0];
	s2 =	stileid.u32  }
0x77: {  	s1 =	rddreg [dreg:$0x1];
	p0 =	sne.s32 s2, $0x0  }
0x78: {  	s3 =	rddreg [dreg:$0x2];
	[bflag:$0x3] =	sbarrier.arrive $0xFFFF;
	s2 =	simm.s32 @!p0 $0x1C01  }
0x79: {  	[timem:s3], [sflag:s2] =	dma.local @!p0 [hbm:s0], s1  }
0x7a: {  	s0 =	simm.s32 @!p0 $0x1  }
0x7b: {  	_ =	swait.ge @!p0 [sflag:s0], s1  }
0x7c: {  	s1 =	ssub.s32 @!p0 $0x0, s1;
	[sflag:s0] =	ssyncset.done @!p0 $0x0  }
0x7d: {  	[sflag:s0] =	ssyncadd.s32 @!p0 s1  }
0x7e: {  	[bflag:$0x3] =	sbarrier.arrive $0xFFFF  }
0x7f: {  	_ =	shalt  }

</sc_bundles>
